<compile_context>
chip_gen: v7x
topology: tpu7x:2x2x1
jax: 0.10.2.dev20260603
libtpu: 0.0.44.dev20260713+nightly
codegen_flags: <defaults>
</compile_context>

<pallas_src>
import functools

import jax
import jax.numpy as jnp
from jax import lax
from jax.experimental import pallas as pl
from jax.experimental.pallas import tpu as pltpu
from jax.experimental.pallas import tpu_sc as plsc

N = 10000
E = 320000
D = 128
DE = 16
H = 64

NC = 2
NS = 16
NW = NC * NS
EPW = E // NW
CHUNK = 80
NCHUNK = EPW // CHUNK
NSTRIPE = N // CHUNK


def _tc_pre_body(x_ref, wm_ref, ws_ref, b_ref, y_ref, z_ref):
    xb = x_ref[...]
    y_ref[...] = jnp.dot(xb, wm_ref[...], preferred_element_type=jnp.float32)
    z_ref[...] = (
        jnp.dot(xb, ws_ref[...], preferred_element_type=jnp.float32) + b_ref[...]
    )


def _tc_pre(x, W_msg, W_self, b_self):
    blk = 1000
    grid = N // blk
    return pl.pallas_call(
        _tc_pre_body,
        grid=(grid,),
        in_specs=[
            pl.BlockSpec((blk, D), lambda i: (i, 0)),
            pl.BlockSpec((D, D), lambda i: (0, 0)),
            pl.BlockSpec((D, D), lambda i: (0, 0)),
            pl.BlockSpec((1, D), lambda i: (0, 0)),
        ],
        out_specs=[
            pl.BlockSpec((blk, D), lambda i: (i, 0)),
            pl.BlockSpec((blk, D), lambda i: (i, 0)),
        ],
        out_shape=[
            jax.ShapeDtypeStruct((N, D), jnp.float32),
            jax.ShapeDtypeStruct((N, D), jnp.float32),
        ],
    )(x, W_msg, W_self, b_self.reshape(1, D))


def _sc_agg_body(y_hbm, ea_hbm, src_hbm, dst_hbm, zero_d_hbm, zero_e_hbm,
                 agg_out, ea_out,
                 src_v, dst_v, sidx_v, rows_v, ea_v, agg_sh, ea_sh, sem):
    cid = lax.axis_index("c")
    sid = lax.axis_index("s")
    wid = sid * NC + cid

    pltpu.sync_copy(zero_d_hbm, rows_v)
    pltpu.sync_copy(zero_e_hbm, ea_v)

    def fill_sidx(off):
        for g in range(CHUNK // 16):
            sidx_v[pl.ds(16 * g, 16)] = off + 16 * g + lax.iota(jnp.int32, 16)

    def zstripe(k, _):
        stripe = jnp.minimum(sid * 8 + k, NSTRIPE - 1)
        fill_sidx(stripe * CHUNK)
        pltpu.sync_copy(rows_v, agg_sh.at[sidx_v])
        pltpu.sync_copy(ea_v, ea_sh.at[sidx_v])
        return 0

    lax.fori_loop(0, 8, zstripe, 0)
    plsc.subcore_barrier()

    def step(i, _):
        pltpu.sync_copy(src_hbm.at[wid, i], src_v)
        pltpu.sync_copy(dst_hbm.at[wid, i], dst_v)
        pltpu.async_copy(y_hbm.at[src_v], rows_v, sem).wait()
        pltpu.sync_copy(ea_hbm.at[wid, i], ea_v)
        pltpu.sync_copy(rows_v, agg_sh.at[dst_v], add=True)
        pltpu.sync_copy(ea_v, ea_sh.at[dst_v], add=True)
        return 0

    lax.fori_loop(0, NCHUNK, step, 0)
    plsc.subcore_barrier()

    def ostripe(k, _):
        stripe = jnp.minimum(sid * 8 + k, NSTRIPE - 1)
        off = stripe * CHUNK
        fill_sidx(off)
        pltpu.async_copy(agg_sh.at[sidx_v], rows_v, sem).wait()
        pltpu.sync_copy(rows_v, agg_out.at[cid, pl.ds(off, CHUNK)])
        pltpu.async_copy(ea_sh.at[sidx_v], ea_v, sem).wait()
        pltpu.sync_copy(ea_v, ea_out.at[cid, pl.ds(off, CHUNK)])
        return 0

    lax.fori_loop(0, 8, ostripe, 0)


def _sc_agg(y, edge_attr3, src3, dst3, zeros_d, zeros_e):
    mesh = plsc.VectorSubcoreMesh(core_axis_name="c", subcore_axis_name="s")
    kfn = pl.kernel(
        _sc_agg_body,
        out_type=[
            jax.ShapeDtypeStruct((NC, N, D), jnp.float32),
            jax.ShapeDtypeStruct((NC, N, DE), jnp.float32),
        ],
        mesh=mesh,
        scratch_types=[
            pltpu.VMEM((CHUNK,), jnp.int32),
            pltpu.VMEM((CHUNK,), jnp.int32),
            pltpu.VMEM((CHUNK,), jnp.int32),
            pltpu.VMEM((CHUNK, D), jnp.float32),
            pltpu.VMEM((CHUNK, DE), jnp.float32),
            pltpu.VMEM_SHARED((N, D), jnp.float32),
            pltpu.VMEM_SHARED((N, DE), jnp.float32),
            pltpu.SemaphoreType.DMA,
        ],
    )
    return kfn(y, edge_attr3, src3, dst3, zeros_d, zeros_e)


def _tc_mid_body(z_ref, a0_ref, a1_ref, e0_ref, e1_ref, we_ref, w1a_ref,
                 w1b_ref, b1_ref, r_ref):
    ea = e0_ref[...] + e1_ref[...]
    emb = jax.nn.relu(
        z_ref[...] + a0_ref[...] + a1_ref[...]
        + jnp.dot(ea, we_ref[...], preferred_element_type=jnp.float32)
    )
    p = (jnp.dot(emb, w1a_ref[...], preferred_element_type=jnp.float32)
         + b1_ref[...])
    q = jnp.dot(emb, w1b_ref[...], preferred_element_type=jnp.float32)
    r_ref[...] = jnp.concatenate([p, q], axis=1)


def _tc_mid(z, a0, a1, e0, e1, W_edge, W1a, W1b, b1):
    blk = 1000
    grid = N // blk
    return pl.pallas_call(
        _tc_mid_body,
        grid=(grid,),
        in_specs=[
            pl.BlockSpec((blk, D), lambda i: (i, 0)),
            pl.BlockSpec((blk, D), lambda i: (i, 0)),
            pl.BlockSpec((blk, D), lambda i: (i, 0)),
            pl.BlockSpec((blk, DE), lambda i: (i, 0)),
            pl.BlockSpec((blk, DE), lambda i: (i, 0)),
            pl.BlockSpec((DE, D), lambda i: (0, 0)),
            pl.BlockSpec((D, H), lambda i: (0, 0)),
            pl.BlockSpec((D, H), lambda i: (0, 0)),
            pl.BlockSpec((1, H), lambda i: (0, 0)),
        ],
        out_specs=pl.BlockSpec((blk, 2 * H), lambda i: (i, 0)),
        out_shape=jax.ShapeDtypeStruct((N, 2 * H), jnp.float32),
    )(z, a0, a1, e0, e1, W_edge, W1a, W1b, b1.reshape(1, H))


def _sc_edge_body(r_hbm, src_hbm, dst_hbm, h_out,
                  src_v, dst_v, pr_v, qr_v, h_v, sem):
    cid = lax.axis_index("c")
    sid = lax.axis_index("s")
    wid = sid * NC + cid

    def step(i, _):
        pltpu.sync_copy(src_hbm.at[wid, i], src_v)
        pltpu.sync_copy(dst_hbm.at[wid, i], dst_v)
        pltpu.async_copy(r_hbm.at[src_v], pr_v, sem).wait()
        pltpu.async_copy(r_hbm.at[dst_v], qr_v, sem).wait()

        def erow(e, _):
            for j in range(H // 16):
                c = j * 16
                v = pr_v[e, pl.ds(c, 16)] + qr_v[e, pl.ds(H + c, 16)]
                h_v[e, pl.ds(c, 16)] = jnp.maximum(v, 0.0)
            return 0

        lax.fori_loop(0, CHUNK, erow, 0)
        pltpu.sync_copy(h_v, h_out.at[wid, i])
        return 0

    lax.fori_loop(0, NCHUNK, step, 0)


def _sc_edge(R, src3, dst3):
    mesh = plsc.VectorSubcoreMesh(core_axis_name="c", subcore_axis_name="s")
    kfn = pl.kernel(
        _sc_edge_body,
        out_type=jax.ShapeDtypeStruct((NW, NCHUNK, CHUNK, H), jnp.float32),
        mesh=mesh,
        scratch_types=[
            pltpu.VMEM((CHUNK,), jnp.int32),
            pltpu.VMEM((CHUNK,), jnp.int32),
            pltpu.VMEM((CHUNK, 2 * H), jnp.float32),
            pltpu.VMEM((CHUNK, 2 * H), jnp.float32),
            pltpu.VMEM((CHUNK, H), jnp.float32),
            pltpu.SemaphoreType.DMA,
        ],
    )
    return kfn(R, src3, dst3)


def _tc_post_body(h_ref, w2_ref, b2_ref, o_ref):
    o_ref[...] = (
        jnp.dot(h_ref[...], w2_ref[...], preferred_element_type=jnp.float32)
        + b2_ref[...]
    )


def _tc_post(h, W2, b2):
    blk = 8000
    grid = E // blk
    return pl.pallas_call(
        _tc_post_body,
        grid=(grid,),
        in_specs=[
            pl.BlockSpec((blk, H), lambda i: (i, 0)),
            pl.BlockSpec((H, 1), lambda i: (0, 0)),
            pl.BlockSpec((1, 1), lambda i: (0, 0)),
        ],
        out_specs=pl.BlockSpec((blk, 1), lambda i: (i, 0)),
        out_shape=jax.ShapeDtypeStruct((E, 1), jnp.float32),
    )(h, W2, b2.reshape(1, 1))


def kernel(batch, x, edge_index, edge_attr, W_self, b_self, W_msg, W_edge,
           W1, b1, W2, b2):
    src = edge_index[0].astype(jnp.int32)
    dst = edge_index[1].astype(jnp.int32)
    src3 = src.reshape(NW, NCHUNK, CHUNK)
    dst3 = dst.reshape(NW, NCHUNK, CHUNK)
    ea3 = edge_attr.reshape(NW, NCHUNK, CHUNK, DE)
    zeros_d = jnp.zeros((CHUNK, D), jnp.float32)
    zeros_e = jnp.zeros((CHUNK, DE), jnp.float32)

    y, z = _tc_pre(x, W_msg, W_self, b_self)
    agg_p, ea_p = _sc_agg(y, ea3, src3, dst3, zeros_d, zeros_e)
    R = _tc_mid(z, agg_p[0], agg_p[1], ea_p[0], ea_p[1],
                W_edge, W1[:D], W1[D:], b1)
    h = _sc_edge(R, src3, dst3)
    logits = _tc_post(h.reshape(E, H), W2, b2)
    return logits

# --- scband reference (transcript-rebuilt; emitter-appended) ---
"""Pipeline reference for scband-view-learner-79139067396168 (READ-ONLY COPY).

The authoritative reference and input builder live on the scoring server;
editing this copy changes nothing except your own understanding.
"""

import jax, jax.numpy as jnp
import numpy as np

N_NODES = 10000
N_EDGES = 320000
D_FEAT = 128
D_EDGE = 16
MLP_DIM = 64


def setup_inputs(seed: int = 0) -> dict:
    key = jax.random.key(seed)
    ks = jax.random.split(key, 12)
    batch = jnp.sort(jax.random.randint(ks[0], (N_NODES,), 0, 128, dtype=jnp.int64))
    x = jax.random.normal(ks[1], (N_NODES, D_FEAT), dtype=jnp.float32)
    edge_index = jax.random.randint(ks[2], (2, N_EDGES), 0, N_NODES, dtype=jnp.int64)
    edge_attr = jax.random.normal(ks[3], (N_EDGES, D_EDGE), dtype=jnp.float32)
    # GNN parameters (single message-passing layer, emb_dim = D_FEAT)
    s = 1.0 / np.sqrt(D_FEAT)
    W_self = jax.random.uniform(ks[4], (D_FEAT, D_FEAT), jnp.float32, -s, s)
    b_self = jnp.zeros((D_FEAT,), jnp.float32)
    W_msg = jax.random.uniform(ks[5], (D_FEAT, D_FEAT), jnp.float32, -s, s)
    W_edge = jax.random.uniform(ks[6], (D_EDGE, D_FEAT), jnp.float32, -1.0 / np.sqrt(D_EDGE), 1.0 / np.sqrt(D_EDGE))
    # Edge MLP parameters: Linear(2*D_FEAT -> MLP_DIM), ReLU, Linear(MLP_DIM -> 1)
    s1 = np.sqrt(6.0 / (2 * D_FEAT + MLP_DIM))  # xavier_uniform
    W1 = jax.random.uniform(ks[7], (2 * D_FEAT, MLP_DIM), jnp.float32, -s1, s1)
    b1 = jnp.zeros((MLP_DIM,), jnp.float32)
    s2 = np.sqrt(6.0 / (MLP_DIM + 1))
    W2 = jax.random.uniform(ks[8], (MLP_DIM, 1), jnp.float32, -s2, s2)
    b2 = jnp.zeros((1,), jnp.float32)
    return {"batch": batch, "x": x, "edge_index": edge_index, "edge_attr": edge_attr,
            "W_self": W_self, "b_self": b_self, "W_msg": W_msg, "W_edge": W_edge,
            "W1": W1, "b1": b1, "W2": W2, "b2": b2}


def reference(batch, x, edge_index, edge_attr, W_self, b_self, W_msg, W_edge, W1, b1, W2, b2):
    src = edge_index[0]
    dst = edge_index[1]
    # gnn(x, edge_index, edge_attr): one MP layer producing node_emb [N, D_FEAT]
    msg = x[src] @ W_msg + edge_attr @ W_edge            # [E, D_FEAT]
    agg = jax.ops.segment_sum(msg, dst, num_segments=x.shape[0])  # scatter-add
    node_emb = jax.nn.relu(x @ W_self + agg + b_self)    # [N, D_FEAT]
    # edge logits from concatenated endpoint embeddings
    emb_src = node_emb[src]                               # gather [E, D_FEAT]
    emb_dst = node_emb[dst]                               # gather [E, D_FEAT]
    edge_emb = jnp.concatenate([emb_src, emb_dst], axis=1)  # [E, 2*D_FEAT]
    h = jax.nn.relu(edge_emb @ W1 + b1)
    edge_logits = h @ W2 + b2                             # [E, 1]
    return edge_logits

if __name__ == "__main__":
    import jax
    _d = setup_inputs()
    print(jax.jit(kernel)(*tuple(_d.values())))

</pallas_src>

<mosaic_0001>
#map = affine_map<(d0, d1) -> (0, 0)>
#map1 = affine_map<(d0, d1) -> (0, 0, 0)>
#map2 = affine_map<(d0, d1) -> (0, 0, 0, 0)>
module attributes {stable_mosaic.version = 14 : i64} {
  func.func @_sc_edge_body(%arg0: i32, %arg1: i32, %arg2: memref<10000x128xf32, #tpu.memory_space<hbm>>, %arg3: memref<32x125x80xi32, #tpu.memory_space<hbm>>, %arg4: memref<32x125x80xi32, #tpu.memory_space<hbm>>, %arg5: memref<32x125x80x64xf32, #tpu.memory_space<hbm>>, %arg6: memref<80xi32, #tpu.memory_space<vmem>>, %arg7: memref<80xi32, #tpu.memory_space<vmem>>, %arg8: memref<80x128xf32, #tpu.memory_space<vmem>>, %arg9: memref<80x128xf32, #tpu.memory_space<vmem>>, %arg10: memref<80x64xf32, #tpu.memory_space<vmem>>, %arg11: memref<!tpu.dma_semaphore, #tpu.memory_space<semaphore_mem>>) attributes {dimension_semantics = [#tpu.dimension_semantics<core_parallel>, #tpu.dimension_semantics<subcore_parallel>], iteration_bounds = array<i64: 2, 16>, scalar_prefetch = 0 : i64, scratch_operands = 6 : i64, tpu.core_type = #tpu.core_type<sc_vector_subcore>, window_params = [{transform_indices = #map}, {transform_indices = #map1}, {transform_indices = #map1}, {transform_indices = #map2}]} {
    %mul3A = arith.constant 2 : i32
    %mul3A_0 = arith.muli %arg1, %mul3A : i32
    %add3A = arith.addi %mul3A_0, %arg0 : i32
    %scan3A = arith.constant 0 : i32
    %scan3A_1 = arith.constant 0 : i32
    %scan3A_2 = arith.constant 125 : i32
    %scan3A_3 = arith.addi %scan3A_1, %scan3A_2 : i32
    %scan3A_4 = arith.constant 1 : i32
    %scan3A_5 = scf.for %scan3A_7 = %scan3A_1 to %scan3A_3 step %scan3A_4 iter_args(%scan3A_8 = %scan3A) -> (i32)  : i32 {
      "tpu.region"() ({
        %run_scoped3A = tpu.sem_alloc : memref<!tpu.dma_semaphore, #tpu.memory_space<semaphore_mem>>
        %dma_start3A_27 = arith.constant 0 : i32
        %dma_start3A_28 = tpu.memref_slice %arg3[%add3A, %scan3A_7, %dma_start3A_27] : memref<32x125x80xi32, #tpu.memory_space<hbm>> -> memref<1x1x80xi32, #tpu.memory_space<hbm>>
        %dma_start3A_29 = tpu.memref_squeeze %dma_start3A_28 : memref<1x1x80xi32, #tpu.memory_space<hbm>> -> memref<80xi32, #tpu.memory_space<hbm>>
        %dma_start3A_30 = arith.constant 0 : i32
        %dma_start3A_31 = tpu.memref_slice %arg3[%add3A, %scan3A_7, %dma_start3A_30] : memref<32x125x80xi32, #tpu.memory_space<hbm>> -> memref<1x1x80xi32, #tpu.memory_space<hbm>>
        %dma_start3A_32 = tpu.memref_squeeze %dma_start3A_31 : memref<1x1x80xi32, #tpu.memory_space<hbm>> -> memref<80xi32, #tpu.memory_space<hbm>>
        tpu.enqueue_dma source(%dma_start3A_32 : memref<80xi32, #tpu.memory_space<hbm>>) target(%arg6 : memref<80xi32, #tpu.memory_space<vmem>>) target_semaphore(%run_scoped3A : memref<!tpu.dma_semaphore, #tpu.memory_space<semaphore_mem>>)
        %dma_wait3A_33 = arith.constant 0 : i32
        %dma_wait3A_34 = tpu.memref_slice %arg3[%add3A, %scan3A_7, %dma_wait3A_33] : memref<32x125x80xi32, #tpu.memory_space<hbm>> -> memref<1x1x80xi32, #tpu.memory_space<hbm>>
        %dma_wait3A_35 = tpu.memref_squeeze %dma_wait3A_34 : memref<1x1x80xi32, #tpu.memory_space<hbm>> -> memref<80xi32, #tpu.memory_space<hbm>>
        %dma_wait3A_36 = arith.constant 0 : i32
        %dma_wait3A_37 = tpu.memref_slice %arg3[%add3A, %scan3A_7, %dma_wait3A_36] : memref<32x125x80xi32, #tpu.memory_space<hbm>> -> memref<1x1x80xi32, #tpu.memory_space<hbm>>
        %dma_wait3A_38 = tpu.memref_squeeze %dma_wait3A_37 : memref<1x1x80xi32, #tpu.memory_space<hbm>> -> memref<80xi32, #tpu.memory_space<hbm>>
        tpu.wait_dma2 semaphore(%run_scoped3A : memref<!tpu.dma_semaphore, #tpu.memory_space<semaphore_mem>>) src(%dma_wait3A_38 : memref<80xi32, #tpu.memory_space<hbm>>) dst(%arg6 : memref<80xi32, #tpu.memory_space<vmem>>)
        tpu.yield
      }) : () -> ()
      "tpu.region"() ({
        %run_scoped3A = tpu.sem_alloc : memref<!tpu.dma_semaphore, #tpu.memory_space<semaphore_mem>>
        %dma_start3A_27 = arith.constant 0 : i32
        %dma_start3A_28 = tpu.memref_slice %arg4[%add3A, %scan3A_7, %dma_start3A_27] : memref<32x125x80xi32, #tpu.memory_space<hbm>> -> memref<1x1x80xi32, #tpu.memory_space<hbm>>
        %dma_start3A_29 = tpu.memref_squeeze %dma_start3A_28 : memref<1x1x80xi32, #tpu.memory_space<hbm>> -> memref<80xi32, #tpu.memory_space<hbm>>
        %dma_start3A_30 = arith.constant 0 : i32
        %dma_start3A_31 = tpu.memref_slice %arg4[%add3A, %scan3A_7, %dma_start3A_30] : memref<32x125x80xi32, #tpu.memory_space<hbm>> -> memref<1x1x80xi32, #tpu.memory_space<hbm>>
        %dma_start3A_32 = tpu.memref_squeeze %dma_start3A_31 : memref<1x1x80xi32, #tpu.memory_space<hbm>> -> memref<80xi32, #tpu.memory_space<hbm>>
        tpu.enqueue_dma source(%dma_start3A_32 : memref<80xi32, #tpu.memory_space<hbm>>) target(%arg7 : memref<80xi32, #tpu.memory_space<vmem>>) target_semaphore(%run_scoped3A : memref<!tpu.dma_semaphore, #tpu.memory_space<semaphore_mem>>)
        %dma_wait3A_33 = arith.constant 0 : i32
        %dma_wait3A_34 = tpu.memref_slice %arg4[%add3A, %scan3A_7, %dma_wait3A_33] : memref<32x125x80xi32, #tpu.memory_space<hbm>> -> memref<1x1x80xi32, #tpu.memory_space<hbm>>
        %dma_wait3A_35 = tpu.memref_squeeze %dma_wait3A_34 : memref<1x1x80xi32, #tpu.memory_space<hbm>> -> memref<80xi32, #tpu.memory_space<hbm>>
        %dma_wait3A_36 = arith.constant 0 : i32
        %dma_wait3A_37 = tpu.memref_slice %arg4[%add3A, %scan3A_7, %dma_wait3A_36] : memref<32x125x80xi32, #tpu.memory_space<hbm>> -> memref<1x1x80xi32, #tpu.memory_space<hbm>>
        %dma_wait3A_38 = tpu.memref_squeeze %dma_wait3A_37 : memref<1x1x80xi32, #tpu.memory_space<hbm>> -> memref<80xi32, #tpu.memory_space<hbm>>
        tpu.wait_dma2 semaphore(%run_scoped3A : memref<!tpu.dma_semaphore, #tpu.memory_space<semaphore_mem>>) src(%dma_wait3A_38 : memref<80xi32, #tpu.memory_space<hbm>>) dst(%arg7 : memref<80xi32, #tpu.memory_space<vmem>>)
        tpu.yield
      }) : () -> ()
      %dma_start3A = arith.constant 0 : i32
      %dma_start3A_9 = arith.constant 0 : i32
      %dma_start3A_10 = tpu.memref_slice %arg2[%dma_start3A, %dma_start3A_9] : memref<10000x128xf32, #tpu.memory_space<hbm>> -> memref<10000x128xf32, #tpu.memory_space<hbm>>
      tpu.enqueue_indirect_dma source(%dma_start3A_10 : memref<10000x128xf32, #tpu.memory_space<hbm>>) target(%arg8 : memref<80x128xf32, #tpu.memory_space<vmem>>) offsets(%arg6 : memref<80xi32, #tpu.memory_space<vmem>>) semaphore(%arg11 : memref<!tpu.dma_semaphore, #tpu.memory_space<semaphore_mem>>)
      %dma_wait3A = arith.constant 0 : i32
      %dma_wait3A_11 = arith.constant 0 : i32
      %dma_wait3A_12 = tpu.memref_slice %arg2[%dma_wait3A, %dma_wait3A_11] : memref<10000x128xf32, #tpu.memory_space<hbm>> -> memref<10000x128xf32, #tpu.memory_space<hbm>>
      tpu.wait_indirect_dma semaphore(%arg11 : memref<!tpu.dma_semaphore, #tpu.memory_space<semaphore_mem>>) src(%dma_wait3A_12 : memref<10000x128xf32, #tpu.memory_space<hbm>>) dst(%arg8 : memref<80x128xf32, #tpu.memory_space<vmem>>)
      %dma_start3A_13 = arith.constant 0 : i32
      %dma_start3A_14 = arith.constant 0 : i32
      %dma_start3A_15 = tpu.memref_slice %arg2[%dma_start3A_13, %dma_start3A_14] : memref<10000x128xf32, #tpu.memory_space<hbm>> -> memref<10000x128xf32, #tpu.memory_space<hbm>>
      tpu.enqueue_indirect_dma source(%dma_start3A_15 : memref<10000x128xf32, #tpu.memory_space<hbm>>) target(%arg9 : memref<80x128xf32, #tpu.memory_space<vmem>>) offsets(%arg7 : memref<80xi32, #tpu.memory_space<vmem>>) semaphore(%arg11 : memref<!tpu.dma_semaphore, #tpu.memory_space<semaphore_mem>>)
      %dma_wait3A_16 = arith.constant 0 : i32
      %dma_wait3A_17 = arith.constant 0 : i32
      %dma_wait3A_18 = tpu.memref_slice %arg2[%dma_wait3A_16, %dma_wait3A_17] : memref<10000x128xf32, #tpu.memory_space<hbm>> -> memref<10000x128xf32, #tpu.memory_space<hbm>>
      tpu.wait_indirect_dma semaphore(%arg11 : memref<!tpu.dma_semaphore, #tpu.memory_space<semaphore_mem>>) src(%dma_wait3A_18 : memref<10000x128xf32, #tpu.memory_space<hbm>>) dst(%arg9 : memref<80x128xf32, #tpu.memory_space<vmem>>)
      %scan3A_19 = arith.constant 0 : i32
      %scan3A_20 = arith.constant 0 : i32
      %scan3A_21 = arith.constant 80 : i32
      %scan3A_22 = arith.addi %scan3A_20, %scan3A_21 : i32
      %scan3A_23 = arith.constant 1 : i32
      %scan3A_24 = scf.for %scan3A_27 = %scan3A_20 to %scan3A_22 step %scan3A_23 iter_args(%scan3A_28 = %scan3A_19) -> (i32)  : i32 {
        %get3A = arith.index_cast %scan3A_27 : i32 to index
        %get3A_29 = arith.constant 0 : index
        %get3A_30 = tpu.vector_load %arg8[%get3A, %get3A_29] {strides = array<i32>} : memref<80x128xf32, #tpu.memory_space<vmem>>, vector<1x16xf32>,
        %get3A_31 = vector.shape_cast %get3A_30 : vector<1x16xf32> to vector<16xf32>
        %get3A_32 = arith.index_cast %scan3A_27 : i32 to index
        %get3A_33 = arith.constant 64 : index
        %get3A_34 = tpu.vector_load %arg9[%get3A_32, %get3A_33] {strides = array<i32>} : memref<80x128xf32, #tpu.memory_space<vmem>>, vector<1x16xf32>,
        %get3A_35 = vector.shape_cast %get3A_34 : vector<1x16xf32> to vector<16xf32>
        %add3A_36 = arith.addf %get3A_31, %get3A_35 : vector<16xf32>
        %max3A = arith.constant 0.000000e+00 : f32
        %max3A_37 = vector.broadcast %max3A : f32 to vector<16xf32>
        %max3A_38 = arith.maximumf %add3A_36, %max3A_37 : vector<16xf32>
        %swap3A = arith.index_cast %scan3A_27 : i32 to index
        %swap3A_39 = arith.constant 0 : index
        %swap3A_40 = tpu.vector_load %arg10[%swap3A, %swap3A_39] {strides = array<i32>} : memref<80x64xf32, #tpu.memory_space<vmem>>, vector<1x16xf32>,
        %swap3A_41 = vector.shape_cast %swap3A_40 : vector<1x16xf32> to vector<16xf32>
        %swap3A_42 = vector.shape_cast %max3A_38 : vector<16xf32> to vector<1x16xf32>
        tpu.vector_store %arg10[%swap3A, %swap3A_39], %swap3A_42 {strides = array<i32>} : memref<80x64xf32, #tpu.memory_space<vmem>>, vector<1x16xf32>,
        %get3A_43 = arith.index_cast %scan3A_27 : i32 to index
        %get3A_44 = arith.constant 16 : index
        %get3A_45 = tpu.vector_load %arg8[%get3A_43, %get3A_44] {strides = array<i32>} : memref<80x128xf32, #tpu.memory_space<vmem>>, vector<1x16xf32>,
        %get3A_46 = vector.shape_cast %get3A_45 : vector<1x16xf32> to vector<16xf32>
        %get3A_47 = arith.index_cast %scan3A_27 : i32 to index
        %get3A_48 = arith.constant 80 : index
        %get3A_49 = tpu.vector_load %arg9[%get3A_47, %get3A_48] {strides = array<i32>} : memref<80x128xf32, #tpu.memory_space<vmem>>, vector<1x16xf32>,
        %get3A_50 = vector.shape_cast %get3A_49 : vector<1x16xf32> to vector<16xf32>
        %add3A_51 = arith.addf %get3A_46, %get3A_50 : vector<16xf32>
        %max3A_52 = arith.constant 0.000000e+00 : f32
        %max3A_53 = vector.broadcast %max3A_52 : f32 to vector<16xf32>
        %max3A_54 = arith.maximumf %add3A_51, %max3A_53 : vector<16xf32>
        %swap3A_55 = arith.index_cast %scan3A_27 : i32 to index
        %swap3A_56 = arith.constant 16 : index
        %swap3A_57 = tpu.vector_load %arg10[%swap3A_55, %swap3A_56] {strides = array<i32>} : memref<80x64xf32, #tpu.memory_space<vmem>>, vector<1x16xf32>,
        %swap3A_58 = vector.shape_cast %swap3A_57 : vector<1x16xf32> to vector<16xf32>
        %swap3A_59 = vector.shape_cast %max3A_54 : vector<16xf32> to vector<1x16xf32>
        tpu.vector_store %arg10[%swap3A_55, %swap3A_56], %swap3A_59 {strides = array<i32>} : memref<80x64xf32, #tpu.memory_space<vmem>>, vector<1x16xf32>,
        %get3A_60 = arith.index_cast %scan3A_27 : i32 to index
        %get3A_61 = arith.constant 32 : index
        %get3A_62 = tpu.vector_load %arg8[%get3A_60, %get3A_61] {strides = array<i32>} : memref<80x128xf32, #tpu.memory_space<vmem>>, vector<1x16xf32>,
        %get3A_63 = vector.shape_cast %get3A_62 : vector<1x16xf32> to vector<16xf32>
        %get3A_64 = arith.index_cast %scan3A_27 : i32 to index
        %get3A_65 = arith.constant 96 : index
        %get3A_66 = tpu.vector_load %arg9[%get3A_64, %get3A_65] {strides = array<i32>} : memref<80x128xf32, #tpu.memory_space<vmem>>, vector<1x16xf32>,
        %get3A_67 = vector.shape_cast %get3A_66 : vector<1x16xf32> to vector<16xf32>
        %add3A_68 = arith.addf %get3A_63, %get3A_67 : vector<16xf32>
        %max3A_69 = arith.constant 0.000000e+00 : f32
        %max3A_70 = vector.broadcast %max3A_69 : f32 to vector<16xf32>
        %max3A_71 = arith.maximumf %add3A_68, %max3A_70 : vector<16xf32>
        %swap3A_72 = arith.index_cast %scan3A_27 : i32 to index
        %swap3A_73 = arith.constant 32 : index
        %swap3A_74 = tpu.vector_load %arg10[%swap3A_72, %swap3A_73] {strides = array<i32>} : memref<80x64xf32, #tpu.memory_space<vmem>>, vector<1x16xf32>,
        %swap3A_75 = vector.shape_cast %swap3A_74 : vector<1x16xf32> to vector<16xf32>
        %swap3A_76 = vector.shape_cast %max3A_71 : vector<16xf32> to vector<1x16xf32>
        tpu.vector_store %arg10[%swap3A_72, %swap3A_73], %swap3A_76 {strides = array<i32>} : memref<80x64xf32, #tpu.memory_space<vmem>>, vector<1x16xf32>,
        %get3A_77 = arith.index_cast %scan3A_27 : i32 to index
        %get3A_78 = arith.constant 48 : index
        %get3A_79 = tpu.vector_load %arg8[%get3A_77, %get3A_78] {strides = array<i32>} : memref<80x128xf32, #tpu.memory_space<vmem>>, vector<1x16xf32>,
        %get3A_80 = vector.shape_cast %get3A_79 : vector<1x16xf32> to vector<16xf32>
        %get3A_81 = arith.index_cast %scan3A_27 : i32 to index
        %get3A_82 = arith.constant 112 : index
        %get3A_83 = tpu.vector_load %arg9[%get3A_81, %get3A_82] {strides = array<i32>} : memref<80x128xf32, #tpu.memory_space<vmem>>, vector<1x16xf32>,
        %get3A_84 = vector.shape_cast %get3A_83 : vector<1x16xf32> to vector<16xf32>
        %add3A_85 = arith.addf %get3A_80, %get3A_84 : vector<16xf32>
        %max3A_86 = arith.constant 0.000000e+00 : f32
        %max3A_87 = vector.broadcast %max3A_86 : f32 to vector<16xf32>
        %max3A_88 = arith.maximumf %add3A_85, %max3A_87 : vector<16xf32>
        %swap3A_89 = arith.index_cast %scan3A_27 : i32 to index
        %swap3A_90 = arith.constant 48 : index
        %swap3A_91 = tpu.vector_load %arg10[%swap3A_89, %swap3A_90] {strides = array<i32>} : memref<80x64xf32, #tpu.memory_space<vmem>>, vector<1x16xf32>,
        %swap3A_92 = vector.shape_cast %swap3A_91 : vector<1x16xf32> to vector<16xf32>
        %swap3A_93 = vector.shape_cast %max3A_88 : vector<16xf32> to vector<1x16xf32>
        tpu.vector_store %arg10[%swap3A_89, %swap3A_90], %swap3A_93 {strides = array<i32>} : memref<80x64xf32, #tpu.memory_space<vmem>>, vector<1x16xf32>,
        %scan3A_94 = arith.constant 0 : i32
        scf.yield %scan3A_94 : i32
      }
      %scan3A_25 = arith.constant 80 : i32
      "tpu.region"() ({
        %run_scoped3A = tpu.sem_alloc : memref<!tpu.dma_semaphore, #tpu.memory_space<semaphore_mem>>
        %dma_start3A_27 = arith.constant 0 : i32
        %dma_start3A_28 = arith.constant 0 : i32
        %dma_start3A_29 = tpu.memref_slice %arg5[%add3A, %scan3A_7, %dma_start3A_27, %dma_start3A_28] : memref<32x125x80x64xf32, #tpu.memory_space<hbm>> -> memref<1x1x80x64xf32, #tpu.memory_space<hbm>>
        %dma_start3A_30 = tpu.memref_squeeze %dma_start3A_29 : memref<1x1x80x64xf32, #tpu.memory_space<hbm>> -> memref<80x64xf32, #tpu.memory_space<hbm>>
        %dma_start3A_31 = arith.constant 0 : i32
        %dma_start3A_32 = arith.constant 0 : i32
        %dma_start3A_33 = tpu.memref_slice %arg5[%add3A, %scan3A_7, %dma_start3A_31, %dma_start3A_32] : memref<32x125x80x64xf32, #tpu.memory_space<hbm>> -> memref<1x1x80x64xf32, #tpu.memory_space<hbm>>
        %dma_start3A_34 = tpu.memref_squeeze %dma_start3A_33 : memref<1x1x80x64xf32, #tpu.memory_space<hbm>> -> memref<80x64xf32, #tpu.memory_space<hbm>>
        tpu.enqueue_dma source(%arg10 : memref<80x64xf32, #tpu.memory_space<vmem>>) target(%dma_start3A_34 : memref<80x64xf32, #tpu.memory_space<hbm>>) target_semaphore(%run_scoped3A : memref<!tpu.dma_semaphore, #tpu.memory_space<semaphore_mem>>)
        %dma_wait3A_35 = arith.constant 0 : i32
        %dma_wait3A_36 = arith.constant 0 : i32
        %dma_wait3A_37 = tpu.memref_slice %arg5[%add3A, %scan3A_7, %dma_wait3A_35, %dma_wait3A_36] : memref<32x125x80x64xf32, #tpu.memory_space<hbm>> -> memref<1x1x80x64xf32, #tpu.memory_space<hbm>>
        %dma_wait3A_38 = tpu.memref_squeeze %dma_wait3A_37 : memref<1x1x80x64xf32, #tpu.memory_space<hbm>> -> memref<80x64xf32, #tpu.memory_space<hbm>>
        %dma_wait3A_39 = arith.constant 0 : i32
        %dma_wait3A_40 = arith.constant 0 : i32
        %dma_wait3A_41 = tpu.memref_slice %arg5[%add3A, %scan3A_7, %dma_wait3A_39, %dma_wait3A_40] : memref<32x125x80x64xf32, #tpu.memory_space<hbm>> -> memref<1x1x80x64xf32, #tpu.memory_space<hbm>>
        %dma_wait3A_42 = tpu.memref_squeeze %dma_wait3A_41 : memref<1x1x80x64xf32, #tpu.memory_space<hbm>> -> memref<80x64xf32, #tpu.memory_space<hbm>>
        tpu.wait_dma2 semaphore(%run_scoped3A : memref<!tpu.dma_semaphore, #tpu.memory_space<semaphore_mem>>) src(%arg10 : memref<80x64xf32, #tpu.memory_space<vmem>>) dst(%dma_wait3A_42 : memref<80x64xf32, #tpu.memory_space<hbm>>)
        tpu.yield
      }) : () -> ()
      %scan3A_26 = arith.constant 0 : i32
      scf.yield %scan3A_26 : i32
    }
    %scan3A_6 = arith.constant 125 : i32
    return
  }
}

#map = affine_map<(d0, d1) -> (0, 0)>
#map1 = affine_map<(d0, d1) -> (0, 0, 0, 0)>
#map2 = affine_map<(d0, d1) -> (0, 0, 0)>
module attributes {stable_mosaic.version = 14 : i64} {
  func.func @_sc_agg_body(%arg0: i32, %arg1: i32, %arg2: memref<10000x128xf32, #tpu.memory_space<hbm>>, %arg3: memref<32x125x80x16xf32, #tpu.memory_space<hbm>>, %arg4: memref<32x125x80xi32, #tpu.memory_space<hbm>>, %arg5: memref<32x125x80xi32, #tpu.memory_space<hbm>>, %arg6: memref<80x128xf32, #tpu.memory_space<hbm>>, %arg7: memref<80x16xf32, #tpu.memory_space<hbm>>, %arg8: memref<2x10000x128xf32, #tpu.memory_space<hbm>>, %arg9: memref<2x10000x16xf32, #tpu.memory_space<hbm>>, %arg10: memref<80xi32, #tpu.memory_space<vmem>>, %arg11: memref<80xi32, #tpu.memory_space<vmem>>, %arg12: memref<80xi32, #tpu.memory_space<vmem>>, %arg13: memref<80x128xf32, #tpu.memory_space<vmem>>, %arg14: memref<80x16xf32, #tpu.memory_space<vmem>>, %arg15: memref<10000x128xf32, #tpu.memory_space<vmem_shared>>, %arg16: memref<10000x16xf32, #tpu.memory_space<vmem_shared>>, %arg17: memref<!tpu.dma_semaphore, #tpu.memory_space<semaphore_mem>>) attributes {dimension_semantics = [#tpu.dimension_semantics<core_parallel>, #tpu.dimension_semantics<subcore_parallel>], iteration_bounds = array<i64: 2, 16>, scalar_prefetch = 0 : i64, scratch_operands = 8 : i64, tpu.core_type = #tpu.core_type<sc_vector_subcore>, window_params = [{transform_indices = #map}, {transform_indices = #map1}, {transform_indices = #map2}, {transform_indices = #map2}, {transform_indices = #map}, {transform_indices = #map}, {transform_indices = #map2}, {transform_indices = #map2}]} {
    %mul3A = arith.constant 2 : i32
    %mul3A_0 = arith.muli %arg1, %mul3A : i32
    %add3A = arith.addi %mul3A_0, %arg0 : i32
    "tpu.region"() ({
      %run_scoped3A = tpu.sem_alloc : memref<!tpu.dma_semaphore, #tpu.memory_space<semaphore_mem>>
      tpu.enqueue_dma source(%arg6 : memref<80x128xf32, #tpu.memory_space<hbm>>) target(%arg13 : memref<80x128xf32, #tpu.memory_space<vmem>>) target_semaphore(%run_scoped3A : memref<!tpu.dma_semaphore, #tpu.memory_space<semaphore_mem>>)
      tpu.wait_dma2 semaphore(%run_scoped3A : memref<!tpu.dma_semaphore, #tpu.memory_space<semaphore_mem>>) src(%arg6 : memref<80x128xf32, #tpu.memory_space<hbm>>) dst(%arg13 : memref<80x128xf32, #tpu.memory_space<vmem>>)
      tpu.yield
    }) : () -> ()
    "tpu.region"() ({
      %run_scoped3A = tpu.sem_alloc : memref<!tpu.dma_semaphore, #tpu.memory_space<semaphore_mem>>
      tpu.enqueue_dma source(%arg7 : memref<80x16xf32, #tpu.memory_space<hbm>>) target(%arg14 : memref<80x16xf32, #tpu.memory_space<vmem>>) target_semaphore(%run_scoped3A : memref<!tpu.dma_semaphore, #tpu.memory_space<semaphore_mem>>)
      tpu.wait_dma2 semaphore(%run_scoped3A : memref<!tpu.dma_semaphore, #tpu.memory_space<semaphore_mem>>) src(%arg7 : memref<80x16xf32, #tpu.memory_space<hbm>>) dst(%arg14 : memref<80x16xf32, #tpu.memory_space<vmem>>)
      tpu.yield
    }) : () -> ()
    %scan3A = arith.constant 0 : i32
    %scan3A_1 = arith.constant 0 : i32
    %scan3A_2 = arith.constant 8 : i32
    %scan3A_3 = arith.addi %scan3A_1, %scan3A_2 : i32
    %scan3A_4 = arith.constant 1 : i32
    %scan3A_5 = scf.for %scan3A_22 = %scan3A_1 to %scan3A_3 step %scan3A_4 iter_args(%scan3A_23 = %scan3A) -> (i32)  : i32 {
      %mul3A_24 = arith.constant 8 : i32
      %mul3A_25 = arith.muli %arg1, %mul3A_24 : i32
      %add3A_26 = arith.addi %mul3A_25, %scan3A_22 : i32
      %min3A = arith.constant 124 : i32
      %min3A_27 = arith.minsi %add3A_26, %min3A : i32
      %mul3A_28 = arith.constant 80 : i32
      %mul3A_29 = arith.muli %min3A_27, %mul3A_28 : i32
      %add3A_30 = arith.constant 0 : i32
      %add3A_31 = arith.addi %mul3A_29, %add3A_30 : i32
      %iota3A = tpu.iota {dimensions = array<i32: 0>} : vector<16xi32>
      %add3A_32 = vector.broadcast %add3A_31 : i32 to vector<16xi32>
      %add3A_33 = arith.addi %add3A_32, %iota3A : vector<16xi32>
      %swap3A = arith.constant 0 : index
      %swap3A_34 = tpu.vector_load %arg12[%swap3A] {strides = array<i32>} : memref<80xi32, #tpu.memory_space<vmem>>, vector<16xi32>,
      %swap3A_35 = vector.shape_cast %swap3A_34 : vector<16xi32> to vector<16xi32>
      %swap3A_36 = vector.shape_cast %add3A_33 : vector<16xi32> to vector<16xi32>
      tpu.vector_store %arg12[%swap3A], %swap3A_36 {strides = array<i32>} : memref<80xi32, #tpu.memory_space<vmem>>, vector<16xi32>,
      %add3A_37 = arith.constant 16 : i32
      %add3A_38 = arith.addi %mul3A_29, %add3A_37 : i32
      %iota3A_39 = tpu.iota {dimensions = array<i32: 0>} : vector<16xi32>
      %add3A_40 = vector.broadcast %add3A_38 : i32 to vector<16xi32>
      %add3A_41 = arith.addi %add3A_40, %iota3A_39 : vector<16xi32>
      %swap3A_42 = arith.constant 16 : index
      %swap3A_43 = tpu.vector_load %arg12[%swap3A_42] {strides = array<i32>} : memref<80xi32, #tpu.memory_space<vmem>>, vector<16xi32>,
      %swap3A_44 = vector.shape_cast %swap3A_43 : vector<16xi32> to vector<16xi32>
      %swap3A_45 = vector.shape_cast %add3A_41 : vector<16xi32> to vector<16xi32>
      tpu.vector_store %arg12[%swap3A_42], %swap3A_45 {strides = array<i32>} : memref<80xi32, #tpu.memory_space<vmem>>, vector<16xi32>,
      %add3A_46 = arith.constant 32 : i32
      %add3A_47 = arith.addi %mul3A_29, %add3A_46 : i32
      %iota3A_48 = tpu.iota {dimensions = array<i32: 0>} : vector<16xi32>
      %add3A_49 = vector.broadcast %add3A_47 : i32 to vector<16xi32>
      %add3A_50 = arith.addi %add3A_49, %iota3A_48 : vector<16xi32>
      %swap3A_51 = arith.constant 32 : index
      %swap3A_52 = tpu.vector_load %arg12[%swap3A_51] {strides = array<i32>} : memref<80xi32, #tpu.memory_space<vmem>>, vector<16xi32>,
      %swap3A_53 = vector.shape_cast %swap3A_52 : vector<16xi32> to vector<16xi32>
      %swap3A_54 = vector.shape_cast %add3A_50 : vector<16xi32> to vector<16xi32>
      tpu.vector_store %arg12[%swap3A_51], %swap3A_54 {strides = array<i32>} : memref<80xi32, #tpu.memory_space<vmem>>, vector<16xi32>,
      %add3A_55 = arith.constant 48 : i32
      %add3A_56 = arith.addi %mul3A_29, %add3A_55 : i32
      %iota3A_57 = tpu.iota {dimensions = array<i32: 0>} : vector<16xi32>
      %add3A_58 = vector.broadcast %add3A_56 : i32 to vector<16xi32>
      %add3A_59 = arith.addi %add3A_58, %iota3A_57 : vector<16xi32>
      %swap3A_60 = arith.constant 48 : index
      %swap3A_61 = tpu.vector_load %arg12[%swap3A_60] {strides = array<i32>} : memref<80xi32, #tpu.memory_space<vmem>>, vector<16xi32>,
      %swap3A_62 = vector.shape_cast %swap3A_61 : vector<16xi32> to vector<16xi32>
      %swap3A_63 = vector.shape_cast %add3A_59 : vector<16xi32> to vector<16xi32>
      tpu.vector_store %arg12[%swap3A_60], %swap3A_63 {strides = array<i32>} : memref<80xi32, #tpu.memory_space<vmem>>, vector<16xi32>,
      %add3A_64 = arith.constant 64 : i32
      %add3A_65 = arith.addi %mul3A_29, %add3A_64 : i32
      %iota3A_66 = tpu.iota {dimensions = array<i32: 0>} : vector<16xi32>
      %add3A_67 = vector.broadcast %add3A_65 : i32 to vector<16xi32>
      %add3A_68 = arith.addi %add3A_67, %iota3A_66 : vector<16xi32>
      %swap3A_69 = arith.constant 64 : index
      %swap3A_70 = tpu.vector_load %arg12[%swap3A_69] {strides = array<i32>} : memref<80xi32, #tpu.memory_space<vmem>>, vector<16xi32>,
      %swap3A_71 = vector.shape_cast %swap3A_70 : vector<16xi32> to vector<16xi32>
      %swap3A_72 = vector.shape_cast %add3A_68 : vector<16xi32> to vector<16xi32>
      tpu.vector_store %arg12[%swap3A_69], %swap3A_72 {strides = array<i32>} : memref<80xi32, #tpu.memory_space<vmem>>, vector<16xi32>,
      "tpu.region"() ({
        %run_scoped3A = tpu.sem_alloc : memref<!tpu.dma_semaphore, #tpu.memory_space<semaphore_mem>>
        %dma_start3A = arith.constant 0 : i32
        %dma_start3A_74 = arith.constant 0 : i32
        %dma_start3A_75 = tpu.memref_slice %arg15[%dma_start3A, %dma_start3A_74] : memref<10000x128xf32, #tpu.memory_space<vmem_shared>> -> memref<10000x128xf32, #tpu.memory_space<vmem_shared>>
        tpu.enqueue_indirect_dma source(%arg13 : memref<80x128xf32, #tpu.memory_space<vmem>>) target(%dma_start3A_75 : memref<10000x128xf32, #tpu.memory_space<vmem_shared>>) offsets(%arg12 : memref<80xi32, #tpu.memory_space<vmem>>) semaphore(%run_scoped3A : memref<!tpu.dma_semaphore, #tpu.memory_space<semaphore_mem>>)
        %dma_wait3A = arith.constant 0 : i32
        %dma_wait3A_76 = arith.constant 0 : i32
        %dma_wait3A_77 = tpu.memref_slice %arg15[%dma_wait3A, %dma_wait3A_76] : memref<10000x128xf32, #tpu.memory_space<vmem_shared>> -> memref<10000x128xf32, #tpu.memory_space<vmem_shared>>
        tpu.wait_indirect_dma semaphore(%run_scoped3A : memref<!tpu.dma_semaphore, #tpu.memory_space<semaphore_mem>>) src(%arg13 : memref<80x128xf32, #tpu.memory_space<vmem>>) dst(%dma_wait3A_77 : memref<10000x128xf32, #tpu.memory_space<vmem_shared>>)
        tpu.yield
      }) : () -> ()
      "tpu.region"() ({
        %run_scoped3A = tpu.sem_alloc : memref<!tpu.dma_semaphore, #tpu.memory_space<semaphore_mem>>
        %dma_start3A = arith.constant 0 : i32
        %dma_start3A_74 = arith.constant 0 : i32
        %dma_start3A_75 = tpu.memref_slice %arg16[%dma_start3A, %dma_start3A_74] : memref<10000x16xf32, #tpu.memory_space<vmem_shared>> -> memref<10000x16xf32, #tpu.memory_space<vmem_shared>>
        tpu.enqueue_indirect_dma source(%arg14 : memref<80x16xf32, #tpu.memory_space<vmem>>) target(%dma_start3A_75 : memref<10000x16xf32, #tpu.memory_space<vmem_shared>>) offsets(%arg12 : memref<80xi32, #tpu.memory_space<vmem>>) semaphore(%run_scoped3A : memref<!tpu.dma_semaphore, #tpu.memory_space<semaphore_mem>>)
        %dma_wait3A = arith.constant 0 : i32
        %dma_wait3A_76 = arith.constant 0 : i32
        %dma_wait3A_77 = tpu.memref_slice %arg16[%dma_wait3A, %dma_wait3A_76] : memref<10000x16xf32, #tpu.memory_space<vmem_shared>> -> memref<10000x16xf32, #tpu.memory_space<vmem_shared>>
        tpu.wait_indirect_dma semaphore(%run_scoped3A : memref<!tpu.dma_semaphore, #tpu.memory_space<semaphore_mem>>) src(%arg14 : memref<80x16xf32, #tpu.memory_space<vmem>>) dst(%dma_wait3A_77 : memref<10000x16xf32, #tpu.memory_space<vmem_shared>>)
        tpu.yield
      }) : () -> ()
      %scan3A_73 = arith.constant 0 : i32
      scf.yield %scan3A_73 : i32
    }
    %scan3A_6 = arith.constant 8 : i32
    %barrier3A = arith.constant 0 : index
    tpu.barrier barrier_id(%barrier3A)
    %scan3A_7 = arith.constant 0 : i32
    %scan3A_8 = arith.constant 0 : i32
    %scan3A_9 = arith.constant 125 : i32
    %scan3A_10 = arith.addi %scan3A_8, %scan3A_9 : i32
    %scan3A_11 = arith.constant 1 : i32
    %scan3A_12 = scf.for %scan3A_22 = %scan3A_8 to %scan3A_10 step %scan3A_11 iter_args(%scan3A_23 = %scan3A_7) -> (i32)  : i32 {
      "tpu.region"() ({
        %run_scoped3A = tpu.sem_alloc : memref<!tpu.dma_semaphore, #tpu.memory_space<semaphore_mem>>
        %dma_start3A_29 = arith.constant 0 : i32
        %dma_start3A_30 = tpu.memref_slice %arg4[%add3A, %scan3A_22, %dma_start3A_29] : memref<32x125x80xi32, #tpu.memory_space<hbm>> -> memref<1x1x80xi32, #tpu.memory_space<hbm>>
        %dma_start3A_31 = tpu.memref_squeeze %dma_start3A_30 : memref<1x1x80xi32, #tpu.memory_space<hbm>> -> memref<80xi32, #tpu.memory_space<hbm>>
        %dma_start3A_32 = arith.constant 0 : i32
        %dma_start3A_33 = tpu.memref_slice %arg4[%add3A, %scan3A_22, %dma_start3A_32] : memref<32x125x80xi32, #tpu.memory_space<hbm>> -> memref<1x1x80xi32, #tpu.memory_space<hbm>>
        %dma_start3A_34 = tpu.memref_squeeze %dma_start3A_33 : memref<1x1x80xi32, #tpu.memory_space<hbm>> -> memref<80xi32, #tpu.memory_space<hbm>>
        tpu.enqueue_dma source(%dma_start3A_34 : memref<80xi32, #tpu.memory_space<hbm>>) target(%arg10 : memref<80xi32, #tpu.memory_space<vmem>>) target_semaphore(%run_scoped3A : memref<!tpu.dma_semaphore, #tpu.memory_space<semaphore_mem>>)
        %dma_wait3A_35 = arith.constant 0 : i32
        %dma_wait3A_36 = tpu.memref_slice %arg4[%add3A, %scan3A_22, %dma_wait3A_35] : memref<32x125x80xi32, #tpu.memory_space<hbm>> -> memref<1x1x80xi32, #tpu.memory_space<hbm>>
        %dma_wait3A_37 = tpu.memref_squeeze %dma_wait3A_36 : memref<1x1x80xi32, #tpu.memory_space<hbm>> -> memref<80xi32, #tpu.memory_space<hbm>>
        %dma_wait3A_38 = arith.constant 0 : i32
        %dma_wait3A_39 = tpu.memref_slice %arg4[%add3A, %scan3A_22, %dma_wait3A_38] : memref<32x125x80xi32, #tpu.memory_space<hbm>> -> memref<1x1x80xi32, #tpu.memory_space<hbm>>
        %dma_wait3A_40 = tpu.memref_squeeze %dma_wait3A_39 : memref<1x1x80xi32, #tpu.memory_space<hbm>> -> memref<80xi32, #tpu.memory_space<hbm>>
        tpu.wait_dma2 semaphore(%run_scoped3A : memref<!tpu.dma_semaphore, #tpu.memory_space<semaphore_mem>>) src(%dma_wait3A_40 : memref<80xi32, #tpu.memory_space<hbm>>) dst(%arg10 : memref<80xi32, #tpu.memory_space<vmem>>)
        tpu.yield
      }) : () -> ()
      "tpu.region"() ({
        %run_scoped3A = tpu.sem_alloc : memref<!tpu.dma_semaphore, #tpu.memory_space<semaphore_mem>>
        %dma_start3A_29 = arith.constant 0 : i32
        %dma_start3A_30 = tpu.memref_slice %arg5[%add3A, %scan3A_22, %dma_start3A_29] : memref<32x125x80xi32, #tpu.memory_space<hbm>> -> memref<1x1x80xi32, #tpu.memory_space<hbm>>
        %dma_start3A_31 = tpu.memref_squeeze %dma_start3A_30 : memref<1x1x80xi32, #tpu.memory_space<hbm>> -> memref<80xi32, #tpu.memory_space<hbm>>
        %dma_start3A_32 = arith.constant 0 : i32
        %dma_start3A_33 = tpu.memref_slice %arg5[%add3A, %scan3A_22, %dma_start3A_32] : memref<32x125x80xi32, #tpu.memory_space<hbm>> -> memref<1x1x80xi32, #tpu.memory_space<hbm>>
        %dma_start3A_34 = tpu.memref_squeeze %dma_start3A_33 : memref<1x1x80xi32, #tpu.memory_space<hbm>> -> memref<80xi32, #tpu.memory_space<hbm>>
        tpu.enqueue_dma source(%dma_start3A_34 : memref<80xi32, #tpu.memory_space<hbm>>) target(%arg11 : memref<80xi32, #tpu.memory_space<vmem>>) target_semaphore(%run_scoped3A : memref<!tpu.dma_semaphore, #tpu.memory_space<semaphore_mem>>)
        %dma_wait3A_35 = arith.constant 0 : i32
        %dma_wait3A_36 = tpu.memref_slice %arg5[%add3A, %scan3A_22, %dma_wait3A_35] : memref<32x125x80xi32, #tpu.memory_space<hbm>> -> memref<1x1x80xi32, #tpu.memory_space<hbm>>
        %dma_wait3A_37 = tpu.memref_squeeze %dma_wait3A_36 : memref<1x1x80xi32, #tpu.memory_space<hbm>> -> memref<80xi32, #tpu.memory_space<hbm>>
        %dma_wait3A_38 = arith.constant 0 : i32
        %dma_wait3A_39 = tpu.memref_slice %arg5[%add3A, %scan3A_22, %dma_wait3A_38] : memref<32x125x80xi32, #tpu.memory_space<hbm>> -> memref<1x1x80xi32, #tpu.memory_space<hbm>>
        %dma_wait3A_40 = tpu.memref_squeeze %dma_wait3A_39 : memref<1x1x80xi32, #tpu.memory_space<hbm>> -> memref<80xi32, #tpu.memory_space<hbm>>
        tpu.wait_dma2 semaphore(%run_scoped3A : memref<!tpu.dma_semaphore, #tpu.memory_space<semaphore_mem>>) src(%dma_wait3A_40 : memref<80xi32, #tpu.memory_space<hbm>>) dst(%arg11 : memref<80xi32, #tpu.memory_space<vmem>>)
        tpu.yield
      }) : () -> ()
      %dma_start3A = arith.constant 0 : i32
      %dma_start3A_24 = arith.constant 0 : i32
      %dma_start3A_25 = tpu.memref_slice %arg2[%dma_start3A, %dma_start3A_24] : memref<10000x128xf32, #tpu.memory_space<hbm>> -> memref<10000x128xf32, #tpu.memory_space<hbm>>
      tpu.enqueue_indirect_dma source(%dma_start3A_25 : memref<10000x128xf32, #tpu.memory_space<hbm>>) target(%arg13 : memref<80x128xf32, #tpu.memory_space<vmem>>) offsets(%arg10 : memref<80xi32, #tpu.memory_space<vmem>>) semaphore(%arg17 : memref<!tpu.dma_semaphore, #tpu.memory_space<semaphore_mem>>)
      %dma_wait3A = arith.constant 0 : i32
      %dma_wait3A_26 = arith.constant 0 : i32
      %dma_wait3A_27 = tpu.memref_slice %arg2[%dma_wait3A, %dma_wait3A_26] : memref<10000x128xf32, #tpu.memory_space<hbm>> -> memref<10000x128xf32, #tpu.memory_space<hbm>>
      tpu.wait_indirect_dma semaphore(%arg17 : memref<!tpu.dma_semaphore, #tpu.memory_space<semaphore_mem>>) src(%dma_wait3A_27 : memref<10000x128xf32, #tpu.memory_space<hbm>>) dst(%arg13 : memref<80x128xf32, #tpu.memory_space<vmem>>)
      "tpu.region"() ({
        %run_scoped3A = tpu.sem_alloc : memref<!tpu.dma_semaphore, #tpu.memory_space<semaphore_mem>>
        %dma_start3A_29 = arith.constant 0 : i32
        %dma_start3A_30 = arith.constant 0 : i32
        %dma_start3A_31 = tpu.memref_slice %arg3[%add3A, %scan3A_22, %dma_start3A_29, %dma_start3A_30] : memref<32x125x80x16xf32, #tpu.memory_space<hbm>> -> memref<1x1x80x16xf32, #tpu.memory_space<hbm>>
        %dma_start3A_32 = tpu.memref_squeeze %dma_start3A_31 : memref<1x1x80x16xf32, #tpu.memory_space<hbm>> -> memref<80x16xf32, #tpu.memory_space<hbm>>
        %dma_start3A_33 = arith.constant 0 : i32
        %dma_start3A_34 = arith.constant 0 : i32
        %dma_start3A_35 = tpu.memref_slice %arg3[%add3A, %scan3A_22, %dma_start3A_33, %dma_start3A_34] : memref<32x125x80x16xf32, #tpu.memory_space<hbm>> -> memref<1x1x80x16xf32, #tpu.memory_space<hbm>>
        %dma_start3A_36 = tpu.memref_squeeze %dma_start3A_35 : memref<1x1x80x16xf32, #tpu.memory_space<hbm>> -> memref<80x16xf32, #tpu.memory_space<hbm>>
        tpu.enqueue_dma source(%dma_start3A_36 : memref<80x16xf32, #tpu.memory_space<hbm>>) target(%arg14 : memref<80x16xf32, #tpu.memory_space<vmem>>) target_semaphore(%run_scoped3A : memref<!tpu.dma_semaphore, #tpu.memory_space<semaphore_mem>>)
        %dma_wait3A_37 = arith.constant 0 : i32
        %dma_wait3A_38 = arith.constant 0 : i32
        %dma_wait3A_39 = tpu.memref_slice %arg3[%add3A, %scan3A_22, %dma_wait3A_37, %dma_wait3A_38] : memref<32x125x80x16xf32, #tpu.memory_space<hbm>> -> memref<1x1x80x16xf32, #tpu.memory_space<hbm>>
        %dma_wait3A_40 = tpu.memref_squeeze %dma_wait3A_39 : memref<1x1x80x16xf32, #tpu.memory_space<hbm>> -> memref<80x16xf32, #tpu.memory_space<hbm>>
        %dma_wait3A_41 = arith.constant 0 : i32
        %dma_wait3A_42 = arith.constant 0 : i32
        %dma_wait3A_43 = tpu.memref_slice %arg3[%add3A, %scan3A_22, %dma_wait3A_41, %dma_wait3A_42] : memref<32x125x80x16xf32, #tpu.memory_space<hbm>> -> memref<1x1x80x16xf32, #tpu.memory_space<hbm>>
        %dma_wait3A_44 = tpu.memref_squeeze %dma_wait3A_43 : memref<1x1x80x16xf32, #tpu.memory_space<hbm>> -> memref<80x16xf32, #tpu.memory_space<hbm>>
        tpu.wait_dma2 semaphore(%run_scoped3A : memref<!tpu.dma_semaphore, #tpu.memory_space<semaphore_mem>>) src(%dma_wait3A_44 : memref<80x16xf32, #tpu.memory_space<hbm>>) dst(%arg14 : memref<80x16xf32, #tpu.memory_space<vmem>>)
        tpu.yield
      }) : () -> ()
      "tpu.region"() ({
        %run_scoped3A = tpu.sem_alloc : memref<!tpu.dma_semaphore, #tpu.memory_space<semaphore_mem>>
        %dma_start3A_29 = arith.constant 0 : i32
        %dma_start3A_30 = arith.constant 0 : i32
        %dma_start3A_31 = tpu.memref_slice %arg15[%dma_start3A_29, %dma_start3A_30] : memref<10000x128xf32, #tpu.memory_space<vmem_shared>> -> memref<10000x128xf32, #tpu.memory_space<vmem_shared>>
        tpu.enqueue_indirect_dma source(%arg13 : memref<80x128xf32, #tpu.memory_space<vmem>>) target(%dma_start3A_31 : memref<10000x128xf32, #tpu.memory_space<vmem_shared>>) offsets(%arg11 : memref<80xi32, #tpu.memory_space<vmem>>) semaphore(%run_scoped3A : memref<!tpu.dma_semaphore, #tpu.memory_space<semaphore_mem>>) {add = true}
        %dma_wait3A_32 = arith.constant 0 : i32
        %dma_wait3A_33 = arith.constant 0 : i32
        %dma_wait3A_34 = tpu.memref_slice %arg15[%dma_wait3A_32, %dma_wait3A_33] : memref<10000x128xf32, #tpu.memory_space<vmem_shared>> -> memref<10000x128xf32, #tpu.memory_space<vmem_shared>>
        tpu.wait_indirect_dma semaphore(%run_scoped3A : memref<!tpu.dma_semaphore, #tpu.memory_space<semaphore_mem>>) src(%arg13 : memref<80x128xf32, #tpu.memory_space<vmem>>) dst(%dma_wait3A_34 : memref<10000x128xf32, #tpu.memory_space<vmem_shared>>)
        tpu.yield
      }) : () -> ()
      "tpu.region"() ({
        %run_scoped3A = tpu.sem_alloc : memref<!tpu.dma_semaphore, #tpu.memory_space<semaphore_mem>>
        %dma_start3A_29 = arith.constant 0 : i32
        %dma_start3A_30 = arith.constant 0 : i32
        %dma_start3A_31 = tpu.memref_slice %arg16[%dma_start3A_29, %dma_start3A_30] : memref<10000x16xf32, #tpu.memory_space<vmem_shared>> -> memref<10000x16xf32, #tpu.memory_space<vmem_shared>>
        tpu.enqueue_indirect_dma source(%arg14 : memref<80x16xf32, #tpu.memory_space<vmem>>) target(%dma_start3A_31 : memref<10000x16xf32, #tpu.memory_space<vmem_shared>>) offsets(%arg11 : memref<80xi32, #tpu.memory_space<vmem>>) semaphore(%run_scoped3A : memref<!tpu.dma_semaphore, #tpu.memory_space<semaphore_mem>>) {add = true}
        %dma_wait3A_32 = arith.constant 0 : i32
        %dma_wait3A_33 = arith.constant 0 : i32
        %dma_wait3A_34 = tpu.memref_slice %arg16[%dma_wait3A_32, %dma_wait3A_33] : memref<10000x16xf32, #tpu.memory_space<vmem_shared>> -> memref<10000x16xf32, #tpu.memory_space<vmem_shared>>
        tpu.wait_indirect_dma semaphore(%run_scoped3A : memref<!tpu.dma_semaphore, #tpu.memory_space<semaphore_mem>>) src(%arg14 : memref<80x16xf32, #tpu.memory_space<vmem>>) dst(%dma_wait3A_34 : memref<10000x16xf32, #tpu.memory_space<vmem_shared>>)
        tpu.yield
      }) : () -> ()
      %scan3A_28 = arith.constant 0 : i32
      scf.yield %scan3A_28 : i32
    }
    %scan3A_13 = arith.constant 125 : i32
    %barrier3A_14 = arith.constant 0 : index
    tpu.barrier barrier_id(%barrier3A_14)
    %scan3A_15 = arith.constant 0 : i32
    %scan3A_16 = arith.constant 0 : i32
    %scan3A_17 = arith.constant 8 : i32
    %scan3A_18 = arith.addi %scan3A_16, %scan3A_17 : i32
    %scan3A_19 = arith.constant 1 : i32
    %scan3A_20 = scf.for %scan3A_22 = %scan3A_16 to %scan3A_18 step %scan3A_19 iter_args(%scan3A_23 = %scan3A_15) -> (i32)  : i32 {
      %mul3A_24 = arith.constant 8 : i32
      %mul3A_25 = arith.muli %arg1, %mul3A_24 : i32
      %add3A_26 = arith.addi %mul3A_25, %scan3A_22 : i32
      %min3A = arith.constant 124 : i32
      %min3A_27 = arith.minsi %add3A_26, %min3A : i32
      %mul3A_28 = arith.constant 80 : i32
      %mul3A_29 = arith.muli %min3A_27, %mul3A_28 : i32
      %add3A_30 = arith.constant 0 : i32
      %add3A_31 = arith.addi %mul3A_29, %add3A_30 : i32
      %iota3A = tpu.iota {dimensions = array<i32: 0>} : vector<16xi32>
      %add3A_32 = vector.broadcast %add3A_31 : i32 to vector<16xi32>
      %add3A_33 = arith.addi %add3A_32, %iota3A : vector<16xi32>
      %swap3A = arith.constant 0 : index
      %swap3A_34 = tpu.vector_load %arg12[%swap3A] {strides = array<i32>} : memref<80xi32, #tpu.memory_space<vmem>>, vector<16xi32>,
      %swap3A_35 = vector.shape_cast %swap3A_34 : vector<16xi32> to vector<16xi32>
      %swap3A_36 = vector.shape_cast %add3A_33 : vector<16xi32> to vector<16xi32>
      tpu.vector_store %arg12[%swap3A], %swap3A_36 {strides = array<i32>} : memref<80xi32, #tpu.memory_space<vmem>>, vector<16xi32>,
      %add3A_37 = arith.constant 16 : i32
      %add3A_38 = arith.addi %mul3A_29, %add3A_37 : i32
      %iota3A_39 = tpu.iota {dimensions = array<i32: 0>} : vector<16xi32>
      %add3A_40 = vector.broadcast %add3A_38 : i32 to vector<16xi32>
      %add3A_41 = arith.addi %add3A_40, %iota3A_39 : vector<16xi32>
      %swap3A_42 = arith.constant 16 : index
      %swap3A_43 = tpu.vector_load %arg12[%swap3A_42] {strides = array<i32>} : memref<80xi32, #tpu.memory_space<vmem>>, vector<16xi32>,
      %swap3A_44 = vector.shape_cast %swap3A_43 : vector<16xi32> to vector<16xi32>
      %swap3A_45 = vector.shape_cast %add3A_41 : vector<16xi32> to vector<16xi32>
      tpu.vector_store %arg12[%swap3A_42], %swap3A_45 {strides = array<i32>} : memref<80xi32, #tpu.memory_space<vmem>>, vector<16xi32>,
      %add3A_46 = arith.constant 32 : i32
      %add3A_47 = arith.addi %mul3A_29, %add3A_46 : i32
      %iota3A_48 = tpu.iota {dimensions = array<i32: 0>} : vector<16xi32>
      %add3A_49 = vector.broadcast %add3A_47 : i32 to vector<16xi32>
      %add3A_50 = arith.addi %add3A_49, %iota3A_48 : vector<16xi32>
      %swap3A_51 = arith.constant 32 : index
      %swap3A_52 = tpu.vector_load %arg12[%swap3A_51] {strides = array<i32>} : memref<80xi32, #tpu.memory_space<vmem>>, vector<16xi32>,
      %swap3A_53 = vector.shape_cast %swap3A_52 : vector<16xi32> to vector<16xi32>
      %swap3A_54 = vector.shape_cast %add3A_50 : vector<16xi32> to vector<16xi32>
      tpu.vector_store %arg12[%swap3A_51], %swap3A_54 {strides = array<i32>} : memref<80xi32, #tpu.memory_space<vmem>>, vector<16xi32>,
      %add3A_55 = arith.constant 48 : i32
      %add3A_56 = arith.addi %mul3A_29, %add3A_55 : i32
      %iota3A_57 = tpu.iota {dimensions = array<i32: 0>} : vector<16xi32>
      %add3A_58 = vector.broadcast %add3A_56 : i32 to vector<16xi32>
      %add3A_59 = arith.addi %add3A_58, %iota3A_57 : vector<16xi32>
      %swap3A_60 = arith.constant 48 : index
      %swap3A_61 = tpu.vector_load %arg12[%swap3A_60] {strides = array<i32>} : memref<80xi32, #tpu.memory_space<vmem>>, vector<16xi32>,
      %swap3A_62 = vector.shape_cast %swap3A_61 : vector<16xi32> to vector<16xi32>
      %swap3A_63 = vector.shape_cast %add3A_59 : vector<16xi32> to vector<16xi32>
      tpu.vector_store %arg12[%swap3A_60], %swap3A_63 {strides = array<i32>} : memref<80xi32, #tpu.memory_space<vmem>>, vector<16xi32>,
      %add3A_64 = arith.constant 64 : i32
      %add3A_65 = arith.addi %mul3A_29, %add3A_64 : i32
      %iota3A_66 = tpu.iota {dimensions = array<i32: 0>} : vector<16xi32>
      %add3A_67 = vector.broadcast %add3A_65 : i32 to vector<16xi32>
      %add3A_68 = arith.addi %add3A_67, %iota3A_66 : vector<16xi32>
      %swap3A_69 = arith.constant 64 : index
      %swap3A_70 = tpu.vector_load %arg12[%swap3A_69] {strides = array<i32>} : memref<80xi32, #tpu.memory_space<vmem>>, vector<16xi32>,
      %swap3A_71 = vector.shape_cast %swap3A_70 : vector<16xi32> to vector<16xi32>
      %swap3A_72 = vector.shape_cast %add3A_68 : vector<16xi32> to vector<16xi32>
      tpu.vector_store %arg12[%swap3A_69], %swap3A_72 {strides = array<i32>} : memref<80xi32, #tpu.memory_space<vmem>>, vector<16xi32>,
      %dma_start3A = arith.constant 0 : i32
      %dma_start3A_73 = arith.constant 0 : i32
      %dma_start3A_74 = tpu.memref_slice %arg15[%dma_start3A, %dma_start3A_73] : memref<10000x128xf32, #tpu.memory_space<vmem_shared>> -> memref<10000x128xf32, #tpu.memory_space<vmem_shared>>
      tpu.enqueue_indirect_dma source(%dma_start3A_74 : memref<10000x128xf32, #tpu.memory_space<vmem_shared>>) target(%arg13 : memref<80x128xf32, #tpu.memory_space<vmem>>) offsets(%arg12 : memref<80xi32, #tpu.memory_space<vmem>>) semaphore(%arg17 : memref<!tpu.dma_semaphore, #tpu.memory_space<semaphore_mem>>)
      %dma_wait3A = arith.constant 0 : i32
      %dma_wait3A_75 = arith.constant 0 : i32
      %dma_wait3A_76 = tpu.memref_slice %arg15[%dma_wait3A, %dma_wait3A_75] : memref<10000x128xf32, #tpu.memory_space<vmem_shared>> -> memref<10000x128xf32, #tpu.memory_space<vmem_shared>>
      tpu.wait_indirect_dma semaphore(%arg17 : memref<!tpu.dma_semaphore, #tpu.memory_space<semaphore_mem>>) src(%dma_wait3A_76 : memref<10000x128xf32, #tpu.memory_space<vmem_shared>>) dst(%arg13 : memref<80x128xf32, #tpu.memory_space<vmem>>)
      "tpu.region"() ({
        %run_scoped3A = tpu.sem_alloc : memref<!tpu.dma_semaphore, #tpu.memory_space<semaphore_mem>>
        %dma_start3A_84 = arith.constant 0 : i32
        %dma_start3A_85 = tpu.memref_slice %arg8[%arg0, %mul3A_29, %dma_start3A_84] : memref<2x10000x128xf32, #tpu.memory_space<hbm>> -> memref<1x80x128xf32, #tpu.memory_space<hbm>>
        %dma_start3A_86 = tpu.memref_squeeze %dma_start3A_85 : memref<1x80x128xf32, #tpu.memory_space<hbm>> -> memref<80x128xf32, #tpu.memory_space<hbm>>
        %dma_start3A_87 = arith.constant 0 : i32
        %dma_start3A_88 = tpu.memref_slice %arg8[%arg0, %mul3A_29, %dma_start3A_87] : memref<2x10000x128xf32, #tpu.memory_space<hbm>> -> memref<1x80x128xf32, #tpu.memory_space<hbm>>
        %dma_start3A_89 = tpu.memref_squeeze %dma_start3A_88 : memref<1x80x128xf32, #tpu.memory_space<hbm>> -> memref<80x128xf32, #tpu.memory_space<hbm>>
        tpu.enqueue_dma source(%arg13 : memref<80x128xf32, #tpu.memory_space<vmem>>) target(%dma_start3A_89 : memref<80x128xf32, #tpu.memory_space<hbm>>) target_semaphore(%run_scoped3A : memref<!tpu.dma_semaphore, #tpu.memory_space<semaphore_mem>>)
        %dma_wait3A_90 = arith.constant 0 : i32
        %dma_wait3A_91 = tpu.memref_slice %arg8[%arg0, %mul3A_29, %dma_wait3A_90] : memref<2x10000x128xf32, #tpu.memory_space<hbm>> -> memref<1x80x128xf32, #tpu.memory_space<hbm>>
        %dma_wait3A_92 = tpu.memref_squeeze %dma_wait3A_91 : memref<1x80x128xf32, #tpu.memory_space<hbm>> -> memref<80x128xf32, #tpu.memory_space<hbm>>
        %dma_wait3A_93 = arith.constant 0 : i32
        %dma_wait3A_94 = tpu.memref_slice %arg8[%arg0, %mul3A_29, %dma_wait3A_93] : memref<2x10000x128xf32, #tpu.memory_space<hbm>> -> memref<1x80x128xf32, #tpu.memory_space<hbm>>
        %dma_wait3A_95 = tpu.memref_squeeze %dma_wait3A_94 : memref<1x80x128xf32, #tpu.memory_space<hbm>> -> memref<80x128xf32, #tpu.memory_space<hbm>>
        tpu.wait_dma2 semaphore(%run_scoped3A : memref<!tpu.dma_semaphore, #tpu.memory_space<semaphore_mem>>) src(%arg13 : memref<80x128xf32, #tpu.memory_space<vmem>>) dst(%dma_wait3A_95 : memref<80x128xf32, #tpu.memory_space<hbm>>)
        tpu.yield
      }) : () -> ()
      %dma_start3A_77 = arith.constant 0 : i32
      %dma_start3A_78 = arith.constant 0 : i32
      %dma_start3A_79 = tpu.memref_slice %arg16[%dma_start3A_77, %dma_start3A_78] : memref<10000x16xf32, #tpu.memory_space<vmem_shared>> -> memref<10000x16xf32, #tpu.memory_space<vmem_shared>>
      tpu.enqueue_indirect_dma source(%dma_start3A_79 : memref<10000x16xf32, #tpu.memory_space<vmem_shared>>) target(%arg14 : memref<80x16xf32, #tpu.memory_space<vmem>>) offsets(%arg12 : memref<80xi32, #tpu.memory_space<vmem>>) semaphore(%arg17 : memref<!tpu.dma_semaphore, #tpu.memory_space<semaphore_mem>>)
      %dma_wait3A_80 = arith.constant 0 : i32
      %dma_wait3A_81 = arith.constant 0 : i32
      %dma_wait3A_82 = tpu.memref_slice %arg16[%dma_wait3A_80, %dma_wait3A_81] : memref<10000x16xf32, #tpu.memory_space<vmem_shared>> -> memref<10000x16xf32, #tpu.memory_space<vmem_shared>>
      tpu.wait_indirect_dma semaphore(%arg17 : memref<!tpu.dma_semaphore, #tpu.memory_space<semaphore_mem>>) src(%dma_wait3A_82 : memref<10000x16xf32, #tpu.memory_space<vmem_shared>>) dst(%arg14 : memref<80x16xf32, #tpu.memory_space<vmem>>)
      "tpu.region"() ({
        %run_scoped3A = tpu.sem_alloc : memref<!tpu.dma_semaphore, #tpu.memory_space<semaphore_mem>>
        %dma_start3A_84 = arith.constant 0 : i32
        %dma_start3A_85 = tpu.memref_slice %arg9[%arg0, %mul3A_29, %dma_start3A_84] : memref<2x10000x16xf32, #tpu.memory_space<hbm>> -> memref<1x80x16xf32, #tpu.memory_space<hbm>>
        %dma_start3A_86 = tpu.memref_squeeze %dma_start3A_85 : memref<1x80x16xf32, #tpu.memory_space<hbm>> -> memref<80x16xf32, #tpu.memory_space<hbm>>
        %dma_start3A_87 = arith.constant 0 : i32
        %dma_start3A_88 = tpu.memref_slice %arg9[%arg0, %mul3A_29, %dma_start3A_87] : memref<2x10000x16xf32, #tpu.memory_space<hbm>> -> memref<1x80x16xf32, #tpu.memory_space<hbm>>
        %dma_start3A_89 = tpu.memref_squeeze %dma_start3A_88 : memref<1x80x16xf32, #tpu.memory_space<hbm>> -> memref<80x16xf32, #tpu.memory_space<hbm>>
        tpu.enqueue_dma source(%arg14 : memref<80x16xf32, #tpu.memory_space<vmem>>) target(%dma_start3A_89 : memref<80x16xf32, #tpu.memory_space<hbm>>) target_semaphore(%run_scoped3A : memref<!tpu.dma_semaphore, #tpu.memory_space<semaphore_mem>>)
        %dma_wait3A_90 = arith.constant 0 : i32
        %dma_wait3A_91 = tpu.memref_slice %arg9[%arg0, %mul3A_29, %dma_wait3A_90] : memref<2x10000x16xf32, #tpu.memory_space<hbm>> -> memref<1x80x16xf32, #tpu.memory_space<hbm>>
        %dma_wait3A_92 = tpu.memref_squeeze %dma_wait3A_91 : memref<1x80x16xf32, #tpu.memory_space<hbm>> -> memref<80x16xf32, #tpu.memory_space<hbm>>
        %dma_wait3A_93 = arith.constant 0 : i32
        %dma_wait3A_94 = tpu.memref_slice %arg9[%arg0, %mul3A_29, %dma_wait3A_93] : memref<2x10000x16xf32, #tpu.memory_space<hbm>> -> memref<1x80x16xf32, #tpu.memory_space<hbm>>
        %dma_wait3A_95 = tpu.memref_squeeze %dma_wait3A_94 : memref<1x80x16xf32, #tpu.memory_space<hbm>> -> memref<80x16xf32, #tpu.memory_space<hbm>>
        tpu.wait_dma2 semaphore(%run_scoped3A : memref<!tpu.dma_semaphore, #tpu.memory_space<semaphore_mem>>) src(%arg14 : memref<80x16xf32, #tpu.memory_space<vmem>>) dst(%dma_wait3A_95 : memref<80x16xf32, #tpu.memory_space<hbm>>)
        tpu.yield
      }) : () -> ()
      %scan3A_83 = arith.constant 0 : i32
      scf.yield %scan3A_83 : i32
    }
    %scan3A_21 = arith.constant 8 : i32
    return
  }
}

module attributes {stable_mosaic.version = 14 : i64} {
  func.func @_tc_pre_body(%arg0: i32, %arg1: memref<1000x128xf32, #tpu.memory_space<vmem>>, %arg2: memref<128x128xf32, #tpu.memory_space<vmem>>, %arg3: memref<128x128xf32, #tpu.memory_space<vmem>>, %arg4: memref<1x128xf32, #tpu.memory_space<vmem>>, %arg5: memref<1000x128xf32, #tpu.memory_space<vmem>>, %arg6: memref<1000x128xf32, #tpu.memory_space<vmem>>) attributes {dimension_semantics = [#tpu.dimension_semantics<arbitrary>], iteration_bounds = array<i64: 10>, scalar_prefetch = 0 : i64, scratch_operands = 0 : i64, tpu.core_type = #tpu.core_type<tc>, window_params = [{transform_indices = @transform_0, window_bounds = array<i64: 1000, 128>}, {pipeline_mode = #tpu.pipeline_mode<synchronous>, transform_indices = @transform_1, window_bounds = array<i64: 128, 128>}, {pipeline_mode = #tpu.pipeline_mode<synchronous>, transform_indices = @transform_2, window_bounds = array<i64: 128, 128>}, {pipeline_mode = #tpu.pipeline_mode<synchronous>, transform_indices = @transform_3, window_bounds = array<i64: 1, 128>}, {transform_indices = @transform_4, window_bounds = array<i64: 1000, 128>}, {transform_indices = @transform_5, window_bounds = array<i64: 1000, 128>}]} {
    %get3A = arith.constant 0 : index
    %get3A_0 = arith.constant 0 : index
    %get3A_1 = vector.load %arg1[%get3A, %get3A_0] : memref<1000x128xf32, #tpu.memory_space<vmem>>, vector<1000x128xf32>
    %get3A_2 = arith.constant 0 : index
    %get3A_3 = arith.constant 0 : index
    %get3A_4 = vector.load %arg2[%get3A_2, %get3A_3] : memref<128x128xf32, #tpu.memory_space<vmem>>, vector<128x128xf32>
    %dot_general3A = arith.constant dense<0.000000e+00> : vector<1000x128xf32>
    %dot_general3A_5 = tpu.matmul %get3A_1, %get3A_4, %dot_general3A {dimension_numbers = #tpu.dot_dimension_numbers<[1], [0], [0], [1], [0, 0, 1, 1], [], []>, transpose_lhs_hint = false} : vector<1000x128xf32>, vector<128x128xf32>, vector<1000x128xf32> -> vector<1000x128xf32>
    %swap3A = arith.constant 0 : index
    %swap3A_6 = arith.constant 0 : index
    %swap3A_7 = vector.load %arg5[%swap3A, %swap3A_6] : memref<1000x128xf32, #tpu.memory_space<vmem>>, vector<1000x128xf32>
    tpu.vector_store %arg5[%swap3A, %swap3A_6], %dot_general3A_5 {strides = array<i32>} : memref<1000x128xf32, #tpu.memory_space<vmem>>, vector<1000x128xf32>,
    %get3A_8 = arith.constant 0 : index
    %get3A_9 = arith.constant 0 : index
    %get3A_10 = vector.load %arg3[%get3A_8, %get3A_9] : memref<128x128xf32, #tpu.memory_space<vmem>>, vector<128x128xf32>
    %dot_general3A_11 = arith.constant dense<0.000000e+00> : vector<1000x128xf32>
    %dot_general3A_12 = tpu.matmul %get3A_1, %get3A_10, %dot_general3A_11 {dimension_numbers = #tpu.dot_dimension_numbers<[1], [0], [0], [1], [0, 0, 1, 1], [], []>, transpose_lhs_hint = false} : vector<1000x128xf32>, vector<128x128xf32>, vector<1000x128xf32> -> vector<1000x128xf32>
    %get3A_13 = arith.constant 0 : index
    %get3A_14 = arith.constant 0 : index
    %get3A_15 = vector.load %arg4[%get3A_13, %get3A_14] : memref<1x128xf32, #tpu.memory_space<vmem>>, vector<1x128xf32>
    %add3A = vector.broadcast %get3A_15 : vector<1x128xf32> to vector<1000x128xf32>
    %add3A_16 = arith.addf %dot_general3A_12, %add3A : vector<1000x128xf32>
    %swap3A_17 = arith.constant 0 : index
    %swap3A_18 = arith.constant 0 : index
    %swap3A_19 = vector.load %arg6[%swap3A_17, %swap3A_18] : memref<1000x128xf32, #tpu.memory_space<vmem>>, vector<1000x128xf32>
    tpu.vector_store %arg6[%swap3A_17, %swap3A_18], %add3A_16 {strides = array<i32>} : memref<1000x128xf32, #tpu.memory_space<vmem>>, vector<1000x128xf32>,
    return
  }
  func.func @transform_0(%arg0: i32) -> (i32, i32) {
    %c0_i32 = arith.constant 0 : i32
    %c0_i32_0 = arith.constant 0 : i32
    return %arg0, %c0_i32 : i32, i32
  }
  func.func @transform_1(%arg0: i32) -> (i32, i32) {
    %c0_i32 = arith.constant 0 : i32
    %c0_i32_0 = arith.constant 0 : i32
    %c0_i32_1 = arith.constant 0 : i32
    return %c0_i32, %c0_i32_0 : i32, i32
  }
  func.func @transform_2(%arg0: i32) -> (i32, i32) {
    %c0_i32 = arith.constant 0 : i32
    %c0_i32_0 = arith.constant 0 : i32
    %c0_i32_1 = arith.constant 0 : i32
    return %c0_i32, %c0_i32_0 : i32, i32
  }
  func.func @transform_3(%arg0: i32) -> (i32, i32) {
    %c0_i32 = arith.constant 0 : i32
    %c0_i32_0 = arith.constant 0 : i32
    %c0_i32_1 = arith.constant 0 : i32
    return %c0_i32, %c0_i32_0 : i32, i32
  }
  func.func @transform_4(%arg0: i32) -> (i32, i32) {
    %c0_i32 = arith.constant 0 : i32
    %c0_i32_0 = arith.constant 0 : i32
    return %arg0, %c0_i32 : i32, i32
  }
  func.func @transform_5(%arg0: i32) -> (i32, i32) {
    %c0_i32 = arith.constant 0 : i32
    %c0_i32_0 = arith.constant 0 : i32
    return %arg0, %c0_i32 : i32, i32
  }
}

module attributes {stable_mosaic.version = 14 : i64} {
  func.func @_tc_mid_body(%arg0: i32, %arg1: memref<1000x128xf32, #tpu.memory_space<vmem>>, %arg2: memref<1000x128xf32, #tpu.memory_space<vmem>>, %arg3: memref<1000x128xf32, #tpu.memory_space<vmem>>, %arg4: memref<1000x16xf32, #tpu.memory_space<vmem>>, %arg5: memref<1000x16xf32, #tpu.memory_space<vmem>>, %arg6: memref<16x128xf32, #tpu.memory_space<vmem>>, %arg7: memref<128x64xf32, #tpu.memory_space<vmem>>, %arg8: memref<128x64xf32, #tpu.memory_space<vmem>>, %arg9: memref<1x64xf32, #tpu.memory_space<vmem>>, %arg10: memref<1000x128xf32, #tpu.memory_space<vmem>>) attributes {dimension_semantics = [#tpu.dimension_semantics<arbitrary>], iteration_bounds = array<i64: 10>, scalar_prefetch = 0 : i64, scratch_operands = 0 : i64, tpu.core_type = #tpu.core_type<tc>, window_params = [{transform_indices = @transform_0, window_bounds = array<i64: 1000, 128>}, {transform_indices = @transform_1, window_bounds = array<i64: 1000, 128>}, {transform_indices = @transform_2, window_bounds = array<i64: 1000, 128>}, {transform_indices = @transform_3, window_bounds = array<i64: 1000, 16>}, {transform_indices = @transform_4, window_bounds = array<i64: 1000, 16>}, {pipeline_mode = #tpu.pipeline_mode<synchronous>, transform_indices = @transform_5, window_bounds = array<i64: 16, 128>}, {pipeline_mode = #tpu.pipeline_mode<synchronous>, transform_indices = @transform_6, window_bounds = array<i64: 128, 64>}, {pipeline_mode = #tpu.pipeline_mode<synchronous>, transform_indices = @transform_7, window_bounds = array<i64: 128, 64>}, {pipeline_mode = #tpu.pipeline_mode<synchronous>, transform_indices = @transform_8, window_bounds = array<i64: 1, 64>}, {transform_indices = @transform_9, window_bounds = array<i64: 1000, 128>}]} {
    %get3A = arith.constant 0 : index
    %get3A_0 = arith.constant 0 : index
    %get3A_1 = vector.load %arg4[%get3A, %get3A_0] : memref<1000x16xf32, #tpu.memory_space<vmem>>, vector<1000x16xf32>
    %get3A_2 = arith.constant 0 : index
    %get3A_3 = arith.constant 0 : index
    %get3A_4 = vector.load %arg5[%get3A_2, %get3A_3] : memref<1000x16xf32, #tpu.memory_space<vmem>>, vector<1000x16xf32>
    %add3A = arith.addf %get3A_1, %get3A_4 : vector<1000x16xf32>
    %get3A_5 = arith.constant 0 : index
    %get3A_6 = arith.constant 0 : index
    %get3A_7 = vector.load %arg1[%get3A_5, %get3A_6] : memref<1000x128xf32, #tpu.memory_space<vmem>>, vector<1000x128xf32>
    %get3A_8 = arith.constant 0 : index
    %get3A_9 = arith.constant 0 : index
    %get3A_10 = vector.load %arg2[%get3A_8, %get3A_9] : memref<1000x128xf32, #tpu.memory_space<vmem>>, vector<1000x128xf32>
    %add3A_11 = arith.addf %get3A_7, %get3A_10 : vector<1000x128xf32>
    %get3A_12 = arith.constant 0 : index
    %get3A_13 = arith.constant 0 : index
    %get3A_14 = vector.load %arg3[%get3A_12, %get3A_13] : memref<1000x128xf32, #tpu.memory_space<vmem>>, vector<1000x128xf32>
    %add3A_15 = arith.addf %add3A_11, %get3A_14 : vector<1000x128xf32>
    %get3A_16 = arith.constant 0 : index
    %get3A_17 = arith.constant 0 : index
    %get3A_18 = vector.load %arg6[%get3A_16, %get3A_17] : memref<16x128xf32, #tpu.memory_space<vmem>>, vector<16x128xf32>
    %dot_general3A = arith.constant dense<0.000000e+00> : vector<1000x128xf32>
    %dot_general3A_19 = tpu.matmul %add3A, %get3A_18, %dot_general3A {dimension_numbers = #tpu.dot_dimension_numbers<[1], [0], [0], [1], [0, 0, 1, 1], [], []>, transpose_lhs_hint = false} : vector<1000x16xf32>, vector<16x128xf32>, vector<1000x128xf32> -> vector<1000x128xf32>
    %add3A_20 = arith.addf %add3A_15, %dot_general3A_19 : vector<1000x128xf32>
    %max3A = arith.constant 0.000000e+00 : f32
    %max3A_21 = vector.broadcast %max3A : f32 to vector<1000x128xf32>
    %max3A_22 = arith.maximumf %add3A_20, %max3A_21 : vector<1000x128xf32>
    %get3A_23 = arith.constant 0 : index
    %get3A_24 = arith.constant 0 : index
    %get3A_25 = vector.load %arg7[%get3A_23, %get3A_24] : memref<128x64xf32, #tpu.memory_space<vmem>>, vector<128x64xf32>
    %dot_general3A_26 = arith.constant dense<0.000000e+00> : vector<1000x64xf32>
    %dot_general3A_27 = tpu.matmul %max3A_22, %get3A_25, %dot_general3A_26 {dimension_numbers = #tpu.dot_dimension_numbers<[1], [0], [0], [1], [0, 0, 1, 1], [], []>, transpose_lhs_hint = false} : vector<1000x128xf32>, vector<128x64xf32>, vector<1000x64xf32> -> vector<1000x64xf32>
    %get3A_28 = arith.constant 0 : index
    %get3A_29 = arith.constant 0 : index
    %get3A_30 = vector.load %arg9[%get3A_28, %get3A_29] : memref<1x64xf32, #tpu.memory_space<vmem>>, vector<1x64xf32>
    %add3A_31 = vector.broadcast %get3A_30 : vector<1x64xf32> to vector<1000x64xf32>
    %add3A_32 = arith.addf %dot_general3A_27, %add3A_31 : vector<1000x64xf32>
    %get3A_33 = arith.constant 0 : index
    %get3A_34 = arith.constant 0 : index
    %get3A_35 = vector.load %arg8[%get3A_33, %get3A_34] : memref<128x64xf32, #tpu.memory_space<vmem>>, vector<128x64xf32>
    %dot_general3A_36 = arith.constant dense<0.000000e+00> : vector<1000x64xf32>
    %dot_general3A_37 = tpu.matmul %max3A_22, %get3A_35, %dot_general3A_36 {dimension_numbers = #tpu.dot_dimension_numbers<[1], [0], [0], [1], [0, 0, 1, 1], [], []>, transpose_lhs_hint = false} : vector<1000x128xf32>, vector<128x64xf32>, vector<1000x64xf32> -> vector<1000x64xf32>
    %concatenate3A = tpu.concatenate %add3A_32, %dot_general3A_37 in 1 : vector<1000x64xf32>, vector<1000x64xf32> -> vector<1000x128xf32>
    %swap3A = arith.constant 0 : index
    %swap3A_38 = arith.constant 0 : index
    %swap3A_39 = vector.load %arg10[%swap3A, %swap3A_38] : memref<1000x128xf32, #tpu.memory_space<vmem>>, vector<1000x128xf32>
    tpu.vector_store %arg10[%swap3A, %swap3A_38], %concatenate3A {strides = array<i32>} : memref<1000x128xf32, #tpu.memory_space<vmem>>, vector<1000x128xf32>,
    return
  }
  func.func @transform_0(%arg0: i32) -> (i32, i32) {
    %c0_i32 = arith.constant 0 : i32
    %c0_i32_0 = arith.constant 0 : i32
    return %arg0, %c0_i32 : i32, i32
  }
  func.func @transform_1(%arg0: i32) -> (i32, i32) {
    %c0_i32 = arith.constant 0 : i32
    %c0_i32_0 = arith.constant 0 : i32
    return %arg0, %c0_i32 : i32, i32
  }
  func.func @transform_2(%arg0: i32) -> (i32, i32) {
    %c0_i32 = arith.constant 0 : i32
    %c0_i32_0 = arith.constant 0 : i32
    return %arg0, %c0_i32 : i32, i32
  }
  func.func @transform_3(%arg0: i32) -> (i32, i32) {
    %c0_i32 = arith.constant 0 : i32
    %c0_i32_0 = arith.constant 0 : i32
    return %arg0, %c0_i32 : i32, i32
  }
  func.func @transform_4(%arg0: i32) -> (i32, i32) {
    %c0_i32 = arith.constant 0 : i32
    %c0_i32_0 = arith.constant 0 : i32
    return %arg0, %c0_i32 : i32, i32
  }
  func.func @transform_5(%arg0: i32) -> (i32, i32) {
    %c0_i32 = arith.constant 0 : i32
    %c0_i32_0 = arith.constant 0 : i32
    %c0_i32_1 = arith.constant 0 : i32
    return %c0_i32, %c0_i32_0 : i32, i32
  }
  func.func @transform_6(%arg0: i32) -> (i32, i32) {
    %c0_i32 = arith.constant 0 : i32
    %c0_i32_0 = arith.constant 0 : i32
    %c0_i32_1 = arith.constant 0 : i32
    return %c0_i32, %c0_i32_0 : i32, i32
  }
  func.func @transform_7(%arg0: i32) -> (i32, i32) {
    %c0_i32 = arith.constant 0 : i32
    %c0_i32_0 = arith.constant 0 : i32
    %c0_i32_1 = arith.constant 0 : i32
    return %c0_i32, %c0_i32_0 : i32, i32
  }
  func.func @transform_8(%arg0: i32) -> (i32, i32) {
    %c0_i32 = arith.constant 0 : i32
    %c0_i32_0 = arith.constant 0 : i32
    %c0_i32_1 = arith.constant 0 : i32
    return %c0_i32, %c0_i32_0 : i32, i32
  }
  func.func @transform_9(%arg0: i32) -> (i32, i32) {
    %c0_i32 = arith.constant 0 : i32
    %c0_i32_0 = arith.constant 0 : i32
    return %arg0, %c0_i32 : i32, i32
  }
}

module attributes {stable_mosaic.version = 14 : i64} {
  func.func @_tc_post_body(%arg0: i32, %arg1: memref<8000x64xf32, #tpu.memory_space<vmem>>, %arg2: memref<64x1xf32, #tpu.memory_space<vmem>>, %arg3: memref<1x1xf32, #tpu.memory_space<vmem>>, %arg4: memref<8000x1xf32, #tpu.memory_space<vmem>>) attributes {dimension_semantics = [#tpu.dimension_semantics<arbitrary>], iteration_bounds = array<i64: 40>, scalar_prefetch = 0 : i64, scratch_operands = 0 : i64, tpu.core_type = #tpu.core_type<tc>, window_params = [{transform_indices = @transform_0, window_bounds = array<i64: 8000, 64>}, {pipeline_mode = #tpu.pipeline_mode<synchronous>, transform_indices = @transform_1, window_bounds = array<i64: 64, 1>}, {pipeline_mode = #tpu.pipeline_mode<synchronous>, transform_indices = @transform_2, window_bounds = array<i64: 1, 1>}, {transform_indices = @transform_3, window_bounds = array<i64: 8000, 1>}]} {
    %get3A = arith.constant 0 : index
    %get3A_0 = arith.constant 0 : index
    %get3A_1 = vector.load %arg1[%get3A, %get3A_0] : memref<8000x64xf32, #tpu.memory_space<vmem>>, vector<8000x64xf32>
    %get3A_2 = arith.constant 0 : index
    %get3A_3 = arith.constant 0 : index
    %get3A_4 = vector.load %arg2[%get3A_2, %get3A_3] : memref<64x1xf32, #tpu.memory_space<vmem>>, vector<64x1xf32>
    %dot_general3A = arith.constant dense<0.000000e+00> : vector<8000x1xf32>
    %dot_general3A_5 = tpu.matmul %get3A_1, %get3A_4, %dot_general3A {dimension_numbers = #tpu.dot_dimension_numbers<[1], [0], [0], [1], [0, 0, 1, 1], [], []>, transpose_lhs_hint = false} : vector<8000x64xf32>, vector<64x1xf32>, vector<8000x1xf32> -> vector<8000x1xf32>
    %get3A_6 = arith.constant 0 : index
    %get3A_7 = arith.constant 0 : index
    %get3A_8 = vector.load %arg3[%get3A_6, %get3A_7] : memref<1x1xf32, #tpu.memory_space<vmem>>, vector<1x1xf32>
    %add3A = vector.broadcast %get3A_8 : vector<1x1xf32> to vector<8000x1xf32>
    %add3A_9 = arith.addf %dot_general3A_5, %add3A : vector<8000x1xf32>
    %swap3A = arith.constant 0 : index
    %swap3A_10 = arith.constant 0 : index
    %swap3A_11 = vector.load %arg4[%swap3A, %swap3A_10] : memref<8000x1xf32, #tpu.memory_space<vmem>>, vector<8000x1xf32>
    tpu.vector_store %arg4[%swap3A, %swap3A_10], %add3A_9 {strides = array<i32>} : memref<8000x1xf32, #tpu.memory_space<vmem>>, vector<8000x1xf32>,
    return
  }
  func.func @transform_0(%arg0: i32) -> (i32, i32) {
    %c0_i32 = arith.constant 0 : i32
    %c0_i32_0 = arith.constant 0 : i32
    return %arg0, %c0_i32 : i32, i32
  }
  func.func @transform_1(%arg0: i32) -> (i32, i32) {
    %c0_i32 = arith.constant 0 : i32
    %c0_i32_0 = arith.constant 0 : i32
    %c0_i32_1 = arith.constant 0 : i32
    return %c0_i32, %c0_i32_0 : i32, i32
  }
  func.func @transform_2(%arg0: i32) -> (i32, i32) {
    %c0_i32 = arith.constant 0 : i32
    %c0_i32_0 = arith.constant 0 : i32
    %c0_i32_1 = arith.constant 0 : i32
    return %c0_i32, %c0_i32_0 : i32, i32
  }
  func.func @transform_3(%arg0: i32) -> (i32, i32) {
    %c0_i32 = arith.constant 0 : i32
    %c0_i32_0 = arith.constant 0 : i32
    return %arg0, %c0_i32 : i32, i32
  }
}

</mosaic_0001>

<sc_bundles>
// kernel: kernel.10.cloned.1.call-start
scs
__scs_entry_jumppad:
0x0: {  	(pc) =	sbr.rel $0x88, $3  }
0x1: {  	(tag) =	ssettag $0x0;
	lr =	simm.s32 $0x1  }
0x2: {  	[smem:$0x3F96] =	sst lr;
	_ =	strace $0xD0000000  }
0x3: {  	_ = 	snop  }
0x4: {  	_ = 	snop  }
0x5: {  	_ = 	snop  }
0x6: {  	_ = 	snop  }
0x7: {  	_ = 	snop  }
__scs_overlays_trampoline_lowered:
0x8: {  	[smem:$0x3FA5] =	sst s0  }
0x9: {  	[smem:$0x3FA6] =	sst s1  }
0xa: {  	[smem:$0x3FA7] =	sst s2  }
0xb: {  	[smem:$0x3FA8] =	sst s3  }
0xc: {  	[smem:$0x3FA9] =	sst s4  }
0xd: {  	[smem:$0x3FAA] =	sst s5  }
0xe: {  	[smem:$0x3FAB] =	sst s6  }
0xf: {  	[smem:$0x3FAC] =	sst s7  }
0x10: {  	[smem:$0x3FAD] =	sst s8  }
0x11: {  	[smem:$0x3FAE] =	sst s9;
	s0 =	simm.s32 @!p0 $0x0  }
0x12: {  	s1 =	sld [smem:$0x3F94];
	s0 =	simm.s32 @p0 $0x1  }
0x13: {  	[smem:$0x3FAF] =	sst s0;
	s0 =	simm.s32 @!p1 $0x0  }
0x14: {  	s2 =	sld [smem:$0x3F93];
	s0 =	simm.s32 @p1 $0x1  }
0x15: {  	[smem:$0x3FB0] =	sst s0;
	s0 =	simm.s32 @!p2 $0x0  }
0x16: {  	s3 =	sld [smem:$0x3FDB];
	s0 =	simm.s32 @p2 $0x1  }
0x17: {  	s4 =	simm.s32 $0x1BF5;
	[smem:$0x3FB2] =	sst s0  }
0x18: {  	s0 =	sld [smem:$0x3F95];
	_ =	swait.ge [sflag:s4], $0x0  }
0x19: {  	s7 =	sld [smem:$0x3F96]  }
0x1a: {  	s8 =	sadd.s32 $0xFFFFE003, lr  }
0x1b: {  	s9 =	sadd.s32 $0xFFFFFEF7, lr;
	s5 =	simm.s32 $0xFFFFFFFF;
	p2 =	slt.u32 s8, $0xFFFFF086  }
0x1c: {  	p1 =	slt.u32 s9, $0xF7A;
	s5 =	simm.s32 @!p2 $0x0  }
0x1d: {  	s5 =	simm.s32 @p1 $0x1;
	p0 =	seq.s32 s7, s2  }
0x1e: {  	s7 =	smul.u32 @!p0 $0xF7A, s2;
	p2 =	seq.s32 @!p0 s5, $0x0  }
0x1f: {  	s9 =	smul.u32 $0xF7A, s1;
	s8 =	simm.s32 @!p0 $0x1BF5;
	p2 =	por !p2, p0  }
0x20: {  	[sflag:s8] =	ssyncset.s32 @!p0 $0xFFFFF086;
	s6 =	sadd.s32 @!p0 s3, s7;
	s7 =	simm.s32 @!p0 $0x108  }
0x21: {  	s3 =	sadd.s32 s3, s9;
	s6 =	sadd.s32 @!p0 $0x88, s6;
	s7 =	simm.s32 @p2 $0x1082  }
0x22: {  	[simem:s7], [sflag:s8] =	dma.local @!p0 [hbm:s6], $0xF7A  }
0x23: {  	s9 =	sor.u32 $0xD0000000, s2;
	s6 =	simm.s32 $0x108;
	_ =	swait.ge @!p0 [sflag:s8], $0x0  }
0x24: {  	s3 =	sadd.s32 $0x88, s3;
	s6 =	simm.s32 @!p1 $0x1082;
	[sflag:s4] =	ssyncset.s32 $0xFFFFF086  }
0x25: {  	[simem:s6], [sflag:s4] =	dma.local [hbm:s3], $0xF7A  }
0x26: {  	[smem:$0x3F96] =	sst s1;
	(tag) =	ssettag s2;
	_ =	strace s9  }
0x27: {  	s1 =	sld [smem:$0x3FA6]  }
0x28: {  	s2 =	sld [smem:$0x3FA7]  }
0x29: {  	s4 =	sld [smem:$0x3FA9]  }
0x2a: {  	p0 =	seq.s32 s5, $0x0;
	s5 =	sld [smem:$0x3FAA]  }
0x2b: {  	s6 =	sld [smem:$0x3FAB]  }
0x2c: {  	s7 =	sld [smem:$0x3FAC]  }
0x2d: {  	s3 =	simm.s32 $0x108;
	s8 =	sld [smem:$0x3FAD]  }
0x2e: {  	s3 =	simm.s32 @!p0 $0x1082;
	s9 =	sld [smem:$0x3FAE]  }
0x2f: {  	lr =	sadd.s32 s0, s3;
	s0 =	sld [smem:$0x3FA5]  }
0x30: {  	s3 =	sld [smem:$0x3FA8]  }
0x31: {  	[smem:$0x3FB1] =	sst s10  }
0x32: {  	s10 =	sld [smem:$0x3FAF];
	_ =	sdelay $0x3  }
0x33: {  	p0 =	seq.s32 s10, $0x1;
	s10 =	sld [smem:$0x3FB1];
	_ =	sdelay $0x3  }
0x34: {  	[smem:$0x3FB1] =	sst s10  }
0x35: {  	s10 =	sld [smem:$0x3FB0];
	_ =	sdelay $0x3  }
0x36: {  	p1 =	seq.s32 s10, $0x1;
	s10 =	sld [smem:$0x3FB1];
	_ =	sdelay $0x3  }
0x37: {  	[smem:$0x3FB1] =	sst s10  }
0x38: {  	s10 =	sld [smem:$0x3FB2]  }
0x39: {  	_ = 	snop;
	(pc) =	sbr.ind lr, $3  }
0x3a: {  	_ = 	snop  }
0x3b: {  	_ = 	snop  }
0x3c: {  	p2 =	seq.s32 s10, $0x1;
	s10 =	sld [smem:$0x3FB1]  }
0x3d: {  	_ =	shalt  }
0x3e: {  	_ =	shalt  }
0x3f: {  	_ =	shalt  }
0x40: {  	_ =	shalt  }
0x41: {  	_ =	shalt  }
0x42: {  	_ =	shalt  }
0x43: {  	_ =	shalt  }
0x44: {  	_ =	shalt  }
0x45: {  	_ =	shalt  }
0x46: {  	_ =	shalt  }
0x47: {  	_ =	shalt  }
0x48: {  	_ =	shalt  }
0x49: {  	_ =	shalt  }
0x4a: {  	_ =	shalt  }
0x4b: {  	_ =	shalt  }
0x4c: {  	_ =	shalt  }
0x4d: {  	_ =	shalt  }
0x4e: {  	_ =	shalt  }
0x4f: {  	_ =	shalt  }
0x50: {  	_ =	shalt  }
0x51: {  	_ =	shalt  }
0x52: {  	_ =	shalt  }
0x53: {  	_ =	shalt  }
0x54: {  	_ =	shalt  }
0x55: {  	_ =	shalt  }
0x56: {  	_ =	shalt  }
0x57: {  	_ =	shalt  }
0x58: {  	_ =	shalt  }
0x59: {  	_ =	shalt  }
0x5a: {  	_ =	shalt  }
0x5b: {  	_ =	shalt  }
0x5c: {  	_ =	shalt  }
0x5d: {  	_ =	shalt  }
0x5e: {  	_ =	shalt  }
0x5f: {  	_ =	shalt  }
0x60: {  	_ =	shalt  }
0x61: {  	_ =	shalt  }
0x62: {  	_ =	shalt  }
0x63: {  	_ =	shalt  }
0x64: {  	_ =	shalt  }
0x65: {  	_ =	shalt  }
0x66: {  	_ =	shalt  }
0x67: {  	_ =	shalt  }
0x68: {  	_ =	shalt  }
0x69: {  	_ =	shalt  }
0x6a: {  	_ =	shalt  }
0x6b: {  	_ =	shalt  }
0x6c: {  	_ =	shalt  }
0x6d: {  	_ =	shalt  }
0x6e: {  	_ =	shalt  }
0x6f: {  	_ =	shalt  }
0x70: {  	_ =	shalt  }
0x71: {  	_ =	shalt  }
0x72: {  	_ =	shalt  }
0x73: {  	_ =	shalt  }
0x74: {  	_ =	shalt  }
0x75: {  	_ =	shalt  }
0x76: {  	_ =	shalt  }
0x77: {  	_ =	shalt  }
0x78: {  	_ =	shalt  }
0x79: {  	_ =	shalt  }
0x7a: {  	_ =	shalt  }
0x7b: {  	_ =	shalt  }
0x7c: {  	_ =	shalt  }
0x7d: {  	_ =	shalt  }
0x7e: {  	_ =	shalt  }
0x7f: {  	_ =	shalt  }
0x80: {  	_ =	shalt  }
0x81: {  	_ =	shalt  }
0x82: {  	_ =	shalt  }
0x83: {  	_ =	shalt  }
0x84: {  	_ =	shalt  }
0x85: {  	_ =	shalt  }
0x86: {  	_ =	shalt  }
0x87: {  	_ =	shalt  }
.Lfunc_end0:
.L_simem_size_0:
called_computation.1_lowered:
.L_overlay_start_0:
0x88: {  	s2 =	sld [smem:$0x3FD9]  }
0x89: {  	s3 =	sld [smem:$0x3FFE];
	_ =	sdelay $0x1  }
0x8a: {  	s1 =	srdreg.scid  }
0x8b: {  	s0 =	sand.u32 $0x1, s1  }
0x8c: {  	s16 =	sshll.u32 s0, $0xA;
	s2 =	sadd.s32 s3, s2  }
0x8d: {  	s2 =	sadd.s32 s2, s16  }
0x8e: {  	[smem:$0x3FBD] =	sst s2  }
0x8f: {  	_ = 	snop  }
0x90: {  	(tm) =	ssettm $0x1  }
0x91: {  	s17 =	sld [smem:$0x3FFB];
	_ =	sdelay $0x3  }
0x92: {  	_ =	strace s17  }
0x93: {  	s2 =	sld [smem:$0x3FFC];
	_ =	sdelay $0x3  }
0x94: {  	_ =	strace s2  }
0x95: {  	s2 =	sld [smem:$0x3FFD];
	_ =	sdelay $0x3  }
0x96: {  	_ =	strace s2  }
0x97: {  	_ =	strace $0x8FFFFFFF  }
0x98: {  	s18 =	sld [smem:$0x3FDB];
	_ =	sdelay $0x1  }
0x99: {  	s19 =	simm.s32 $_scs_section_size  }
0x9a: {  	s4 =	simm.s32 $_size__tile_overlayer_lowered;
	s5 =	simm.s32 $_tile_overlayer_lowered  }
0x9b: {  	s22 =	simm.s32 $0x1BFF;
	s21 =	sshll.u32 s5, $0x1;
	s2 =	sadd.s32 s19, s18  }
0x9c: {  	s6 =	simm.s32 $0x0;
	s20 =	sshll.u32 s4, $0x1;
	s4 =	sadd.s32 s21, s2  }
0x9d: {  	[timem:s6], [sflag:s22] =	dma.local [hbm:s4], s20  }
0x9e: {  	_ =	swait.ge [sflag:s22], s20  }
0x9f: {  	s3 =	ssub.s32 $0x0, s20;
	[sflag:s22] =	ssyncset.done $0x0  }
0xa0: {  	[sflag:s22] =	ssyncadd.s32 s3;
	_ =	sdelay $0x1  }
0xa1: {  	s23 =	simm.s32 $0x1B8B  }
0xa2: {  	_ =	swait.ge [sflag:s23], $0x1  }
0xa3: {  	[sflag:s23] =	ssyncset.done $0x0  }
0xa4: {  	s25 =	simm.s32 $0x1B8E;
	s24 =	sld [smem:$0x3FFE];
	[sflag:s23] =	ssyncadd.s32 $0xFFFFFFFF  }
0xa5: {  	s26 =	simm.s32 $execute0_lowered;
	[smem:$0x3FD2] =	sst s25  }
0xa6: {  	s4 =	sshll.u32 s26, $0x1;
	_ =	strace $0x80000049;
	[dreg:$0x1] =	wrdreg $0xFFFFFFFF  }
0xa7: {  	s28 =	simm.s32 $_size_execute0_lowered;
	s2 =	sadd.s32 s2, s4;
	[dreg:$0x0] =	wrdreg $0x0  }
0xa8: {  	s4 =	sshll.u32 s28, $0x1;
	[dreg:$0x2] =	wrdreg s2  }
0xa9: {  	[dreg:$0x3] =	wrdreg s4  }
0xaa: {  	[dreg:$0x4] =	wrdreg $0xC0  }
0xab: {  	_ =	task [dreg:s6], $0x5FFFF  }
0xac: {  	[dreg:$0x1] =	wrdreg $0xFFFFFFFF  }
0xad: {  	[dreg:$0x0] =	wrdreg $0x60  }
0xae: {  	[dreg:$0x2] =	wrdreg s24  }
0xaf: {  	[dreg:$0x3] =	wrdreg $0x9  }
0xb0: {  	_ =	task.clear_ibuf [dreg:s6], $0x4FFFF;
	_ =	strace $0x90000049  }
0xb1: {  	s29 =	simm.s32 $0x9;
	_ =	strace $0x8000004B  }
0xb2: {  	_ =	swait.ge [sflag:s29], $0x1  }
0xb3: {  	[sflag:s29] =	ssyncadd.s32 $0xFFFFFFFF  }
0xb4: {  	_ =	strace $0x9000004B  }
0xb5: {  	_ =	sfence  }
0xb6: {  	s30 =	sld [smem:$0x0];
	_ =	sdelay $0x2  }
0xb7: {  	s31 =	sshll.u32 s1, $0xD;
	s1 =	sshrl.u32 s1, $0x2  }
0xb8: {  	s3 =	sand.u32 $0x4000, s31;
	s1 =	sadd.s32 s1, s30  }
0xb9: {  	s0 =	sor.u32 s3, s0;
	s1 =	sshll.u32 s1, $0x11  }
0xba: {  	s0 =	sor.u32 s1, s0  }
0xbb: {  	s0 =	sadd.s32 $0x8F2B, s0  }
0xbc: {  	[sflag:s0] =	ssyncadd.remote.s32 $0x1  }
0xbd: {  	_ =	sfence.sel $0xFFFF  }
0xbe: {  	[dreg:$0x0] =	wrdreg $0xFFFFFFFF;
	(pc) =	sbr.abs _section_cstart, $3  }
0xbf: {  	[dreg:$0x1] =	wrdreg $0xFFFFFFFF  }
0xc0: {  	_ =	task.clear_ibuf [dreg:s6], $0x2FFFF;
	_ =	strace $0x9FFFFFFF  }
0xc1: {  	(tm) =	ssettm $0x7FFFFFFF  }
tec
execute0_lowered:
.L_overlay_start_1:
0x0: {  	(tag) =	ssettag $0x1  }
0x1: {  	s6 =	rddreg [dreg:$0x0]  }
0x2: {  	s0 =	rddreg [dreg:$0x1];
	s1 =	simm.s32 $0x0;
	s5 =	srdreg.scid  }
0x3: {  	s2 =	stileid.u32;
	s11 =	simm.s32 $0x80;
	s12 =	simm.s32 $0x50  }
0x4: {  	s13 =	simm.s32 $0x100;
	s14 =	simm.s32 $0x1;
	s15 =	simm.s32 $0x2900  }
0x5: {  	s16 =	simm.s32 $0x5100;
	s17 =	simm.s32 $0x0;
	[smem:$0x7FF] =	sst s1  }
0x6: {  	s3 =	sadd.s32 $0x23200, s6;
	s4 =	sadd.s32 $0x13200, s6;
	s7 =	sand.u32 $0x1, s5  }
0x7: {  	s5 =	sadd.s32 $0x3200, s6;
	s9 =	sshll.u32 s2, $0x1;
	s8 =	ssub.s32 $0x2, s7  }
0x8: {  	s6 =	sadd.s32 $0x4A400, s6;
	s9 =	sor.u32 s7, s9;
	s10 =	sshrl.u32 s8, $0x1  }
0x9: {  	_ =	strace $0x8000004A;
	s7 =	sshll.u32 s9, $0xB;
	s10 =	ssub.s32 s8, s10  }
0xa: {  	s8 =	smul.u32 $0x138800, s9;
	s9 =	smax.u32 s10, $0x1;
	s10 =	simm.s32 $0x2  }
.LBB2_1:
0xb: {  	s18 =	simm.s32 $0x0  }
.LBB2_2:
0xc: {  	s19 =	sshll.u32 s18, $0x4  }
0xd: {  	s19 =	sadd.s32 s7, s19  }
0xe: {  	s21 =	simm.s32 $0x0;
	s20 =	sadd.s32 s4, s19  }
0xf: {  	[tilespmem:s21], [sflag:$0x2] =	stream.linear.gather [hbm4b:s20+s21], $0x80, $0x38;
	[tilespmem:$0x7900] =	vst v63  }
0x10: {  	_ =	swait.ge [sflag:s10], $0x80  }
0x11: {  	[sflag:s10] =	ssyncset.done $0x0  }
0x12: {  	s19 =	sadd.s32 s5, s19;
	[sflag:s10] =	ssyncadd.s32 $0xFFFFFF80  }
0x13: {  	[tilespmem:s11], [sflag:$0x2] =	stream.linear.gather [hbm4b:s19+s21], $0x80, $0x38;
	[tilespmem:$0x7900] =	vst v63  }
0x14: {  	_ =	swait.ge [sflag:s10], $0x80  }
0x15: {  	[sflag:s10] =	ssyncset.done $0x0  }
0x16: {  	[sflag:s10] =	ssyncadd.s32 $0xFFFFFF80  }
0x17: {  	[tilespmem:s13], [sflag:$0x1] =	stream.indirect.gather [hbm4b:s3+s12], $0x80, s21, s12, $0xb8;
	[tilespmem:$0x7900] =	vst v63  }
0x18: {  	_ =	swait.ge [sflag:s14], $0x2800  }
0x19: {  	[sflag:s14] =	ssyncset.done $0x0  }
0x1a: {  	[sflag:s14] =	ssyncadd.s32 $0xFFFFD800  }
0x1b: {  	[tilespmem:s15], [sflag:$0x1] =	stream.indirect.gather [hbm4b:s3+s12], $0x80, s11, s12, $0xb8;
	[tilespmem:$0x7900] =	vst v63  }
0x1c: {  	_ =	swait.ge [sflag:s14], $0x2800  }
0x1d: {  	[sflag:s14] =	ssyncset.done $0x0  }
0x1e: {  	s20 =	simm.s32 $0x0;
	[sflag:s14] =	ssyncadd.s32 $0xFFFFD800  }
0x1f: {  	v2 =	vld [tilespmem:s20+$0x130]  }
0x20: {  	v3 =	vld [tilespmem:s20+$0x2970]  }
0x21: {  	v5 =	vld [tilespmem:s20+$0x100]  }
0x22: {  	v6 =	vld [tilespmem:s20+$0x2940]  }
0x23: {  	v1 =	vld [tilespmem:s20+$0x110]  }
0x24: {  	v4 =	vld [tilespmem:s20+$0x2950]  }
0x25: {  	v0 =	vld [tilespmem:s20+$0x120];
	v7 =	vadd.f32 v3, v2  }
0x26: {  	s19 =	simm.s32 $0x80;
	v3 =	vld [tilespmem:s20+$0x2960]  }
0x27: {  	s21 =	simm.s32 $0x400;
	v2 =	vld [tilespmem:s19+$0x130];
	v5 =	vadd.f32 v6, v5;
	v6 =	vmax.f32 v7, $0.0e+00  }
.LBB2_3:
0x28: {  	p0 =	sne.s32 s21, $0x9E00;
	v7 =	vld [tilespmem:s19+$0x2970];
	[tilespmem:s20+$0x5130] =	vst v6  }
0x29: {  	v6 =	vld [tilespmem:s19+$0x100];
	v5 =	vmax.f32 v5, $0.0e+00;
	v4 =	vadd.f32 v4, v1  }
0x2a: {  	v8 =	vld [tilespmem:s19+$0x2940];
	[tilespmem:s20+$0x5100] =	vst v5  }
.Ltmp0:
0x2b: {  	v1 =	vld [tilespmem:s19+$0x110];
	v5 =	vmax.f32 v4, $0.0e+00;
	v3 =	vadd.f32 v3, v0;
	(pc) =	sbr.rel @p0 .LBB2_3-.Ltmp0, $4  }
0x2c: {  	v4 =	vld [tilespmem:s19+$0x2950];
	[tilespmem:s20+$0x5110] =	vst v5  }
0x2d: {  	v0 =	vld [tilespmem:s19+$0x120];
	v7 =	vadd.f32 v7, v2;
	v2 =	vmax.f32 v3, $0.0e+00  }
0x2e: {  	v3 =	vld [tilespmem:s19+$0x2960];
	[tilespmem:s20+$0x5120] =	vst v2;
	s20 =	smov.u32 s19;
	s19 =	sshra.s32 s21, $0x2  }
0x2f: {  	s21 =	sadd.s32 $0x200, s21;
	v2 =	vld [tilespmem:s19+$0x130];
	v5 =	vadd.f32 v8, v6;
	v6 =	vmax.f32 v7, $0.0e+00  }
0x30: {  	v7 =	vld [tilespmem:s19+$0x2970];
	[tilespmem:s20+$0x5130] =	vst v6  }
0x31: {  	v6 =	vld [tilespmem:s19+$0x100];
	v5 =	vmax.f32 v5, $0.0e+00;
	v1 =	vadd.f32 v4, v1  }
0x32: {  	v8 =	vld [tilespmem:s19+$0x2940];
	[tilespmem:s20+$0x5100] =	vst v5  }
0x33: {  	v57 =	vld [tilespmem:s19+$0x110];
	v1 =	vmax.f32 v1, $0.0e+00  }
0x34: {  	v5 =	vld [tilespmem:s19+$0x2950];
	[tilespmem:s20+$0x5110] =	vst v1  }
0x35: {  	v1 =	vld [tilespmem:s19+$0x120]  }
0x36: {  	v9 =	vld [tilespmem:s19+$0x2960]  }
0x37: {  	v0 =	vadd.f32 v3, v0  }
0x38: {  	v2 =	vadd.f32 v7, v2  }
0x39: {  	v0 =	vmax.f32 v0, $0.0e+00;
	v58 =	vadd.f32 v8, v6  }
0x3a: {  	s30 =	smul.u32 $0x2800, s18;
	[tilespmem:s20+$0x5120] =	vst v0;
	v59 =	vmax.f32 v2, $0.0e+00;
	v60 =	vadd.f32 v5, v57  }
0x3b: {  	[tilespmem:s19+$0x5130] =	vst v59;
	v61 =	vmax.f32 v58, $0.0e+00;
	v1 =	vadd.f32 v9, v1  }
0x3c: {  	s18 =	sadd.s32 $0x1, s18;
	s20 =	sadd.s32 s8, s30;
	[tilespmem:s19+$0x5100] =	vst v61;
	v62 =	vmax.f32 v60, $0.0e+00  }
0x3d: {  	p0 =	sne.s32 s18, $0x7D;
	s20 =	sshrl.u32 s20, $0x3;
	[tilespmem:s19+$0x5110] =	vst v62;
	v63 =	vmax.f32 v1, $0.0e+00  }
.Ltmp1:
0x3e: {  	s31 =	sadd.s32 s6, s20;
	[tilespmem:s19+$0x5120] =	vst v63;
	(pc) =	sbr.rel @p0 .LBB2_2-.Ltmp1, $4  }
0x3f: {  	[hbm4b:s31+s1] =	stream.linear.scatter [tilespmem:s16], [sflag:$0x2], $0x2800, $0x38;
	[tilespmem:$0x7900] =	vst v63  }
0x40: {  	_ =	swait.ge [sflag:s10], $0x2800  }
0x41: {  	[sflag:s10] =	ssyncset.done $0x0  }
0x42: {  	[sflag:s10] =	ssyncadd.s32 $0xFFFFD800  }
0x43: {  	s17 =	sadd.s32 $0x1, s17  }
0x44: {  	p0 =	sne.s32 s17, s9  }
.Ltmp2:
0x45: {  	_ = 	snop;
	(pc) =	sbr.rel @p0 .LBB2_1-.Ltmp2, $1  }
0x46: {  	_ =	sdelay $0x3  }
0x47: {  	_ =	sfence.sel $0x180000  }
0x48: {  	[bflag:$0x0] =	sbarrier.arrive $0xFFFF  }
0x49: {  	p0 =	sne.s32 s2, $0x0;
	_ =	strace $0x9000004A  }
0x4a: {  	s0 =	sadd.s32 @!p0 $0x100000, s0;
	[bflag:$0x2] =	sbarrier.arrive $0xFFFF  }
0x4b: {  	[sflag:s0] =	ssyncadd.tile.s32 @!p0 $0x1;
	_ =	shalt  }
.Lfunc_end2:
_tile_overlayer_lowered:
.L_overlay_start_2:
0x4c: {  	(tag) =	ssettag $0x2  }
0x4d: {  	s0 =	rddreg [dreg:$0x0];
	s2 =	stileid.u32  }
0x4e: {  	s1 =	rddreg [dreg:$0x1];
	p0 =	sne.s32 s2, $0x0  }
0x4f: {  	s3 =	rddreg [dreg:$0x2];
	[bflag:$0x3] =	sbarrier.arrive $0xFFFF;
	s2 =	simm.s32 @!p0 $0x1C02  }
0x50: {  	[timem:s3], [sflag:s2] =	dma.local @!p0 [hbm:s0], s1  }
0x51: {  	s0 =	simm.s32 @!p0 $0x2  }
0x52: {  	_ =	swait.ge @!p0 [sflag:s0], s1  }
0x53: {  	s1 =	ssub.s32 @!p0 $0x0, s1;
	[sflag:s0] =	ssyncset.done @!p0 $0x0  }
0x54: {  	[sflag:s0] =	ssyncadd.s32 @!p0 s1  }
0x55: {  	[bflag:$0x3] =	sbarrier.arrive $0xFFFF  }
0x56: {  	_ =	shalt  }

// kernel: kernel.7.cloned.1.call-start
scs
__scs_entry_jumppad:
0x0: {  	(pc) =	sbr.rel $0x88, $3  }
0x1: {  	(tag) =	ssettag $0x0;
	lr =	simm.s32 $0x1  }
0x2: {  	[smem:$0x3F96] =	sst lr;
	_ =	strace $0xD0000000  }
0x3: {  	_ = 	snop  }
0x4: {  	_ = 	snop  }
0x5: {  	_ = 	snop  }
0x6: {  	_ = 	snop  }
0x7: {  	_ = 	snop  }
__scs_overlays_trampoline_lowered:
0x8: {  	[smem:$0x3FA5] =	sst s0  }
0x9: {  	[smem:$0x3FA6] =	sst s1  }
0xa: {  	[smem:$0x3FA7] =	sst s2  }
0xb: {  	[smem:$0x3FA8] =	sst s3  }
0xc: {  	[smem:$0x3FA9] =	sst s4  }
0xd: {  	[smem:$0x3FAA] =	sst s5  }
0xe: {  	[smem:$0x3FAB] =	sst s6  }
0xf: {  	[smem:$0x3FAC] =	sst s7  }
0x10: {  	[smem:$0x3FAD] =	sst s8  }
0x11: {  	[smem:$0x3FAE] =	sst s9;
	s0 =	simm.s32 @!p0 $0x0  }
0x12: {  	s1 =	sld [smem:$0x3F94];
	s0 =	simm.s32 @p0 $0x1  }
0x13: {  	[smem:$0x3FAF] =	sst s0;
	s0 =	simm.s32 @!p1 $0x0  }
0x14: {  	s2 =	sld [smem:$0x3F93];
	s0 =	simm.s32 @p1 $0x1  }
0x15: {  	[smem:$0x3FB0] =	sst s0;
	s0 =	simm.s32 @!p2 $0x0  }
0x16: {  	s3 =	sld [smem:$0x3FDB];
	s0 =	simm.s32 @p2 $0x1  }
0x17: {  	s4 =	simm.s32 $0x1BF5;
	[smem:$0x3FB2] =	sst s0  }
0x18: {  	s0 =	sld [smem:$0x3F95];
	_ =	swait.ge [sflag:s4], $0x0  }
0x19: {  	s7 =	sld [smem:$0x3F96]  }
0x1a: {  	s8 =	sadd.s32 $0xFFFFE003, lr  }
0x1b: {  	s9 =	sadd.s32 $0xFFFFFEF7, lr;
	s5 =	simm.s32 $0xFFFFFFFF;
	p2 =	slt.u32 s8, $0xFFFFF086  }
0x1c: {  	p1 =	slt.u32 s9, $0xF7A;
	s5 =	simm.s32 @!p2 $0x0  }
0x1d: {  	s5 =	simm.s32 @p1 $0x1;
	p0 =	seq.s32 s7, s2  }
0x1e: {  	s7 =	smul.u32 @!p0 $0xF7A, s2;
	p2 =	seq.s32 @!p0 s5, $0x0  }
0x1f: {  	s9 =	smul.u32 $0xF7A, s1;
	s8 =	simm.s32 @!p0 $0x1BF5;
	p2 =	por !p2, p0  }
0x20: {  	[sflag:s8] =	ssyncset.s32 @!p0 $0xFFFFF086;
	s6 =	sadd.s32 @!p0 s3, s7;
	s7 =	simm.s32 @!p0 $0x108  }
0x21: {  	s3 =	sadd.s32 s3, s9;
	s6 =	sadd.s32 @!p0 $0x88, s6;
	s7 =	simm.s32 @p2 $0x1082  }
0x22: {  	[simem:s7], [sflag:s8] =	dma.local @!p0 [hbm:s6], $0xF7A  }
0x23: {  	s9 =	sor.u32 $0xD0000000, s2;
	s6 =	simm.s32 $0x108;
	_ =	swait.ge @!p0 [sflag:s8], $0x0  }
0x24: {  	s3 =	sadd.s32 $0x88, s3;
	s6 =	simm.s32 @!p1 $0x1082;
	[sflag:s4] =	ssyncset.s32 $0xFFFFF086  }
0x25: {  	[simem:s6], [sflag:s4] =	dma.local [hbm:s3], $0xF7A  }
0x26: {  	[smem:$0x3F96] =	sst s1;
	(tag) =	ssettag s2;
	_ =	strace s9  }
0x27: {  	s1 =	sld [smem:$0x3FA6]  }
0x28: {  	s2 =	sld [smem:$0x3FA7]  }
0x29: {  	s4 =	sld [smem:$0x3FA9]  }
0x2a: {  	p0 =	seq.s32 s5, $0x0;
	s5 =	sld [smem:$0x3FAA]  }
0x2b: {  	s6 =	sld [smem:$0x3FAB]  }
0x2c: {  	s7 =	sld [smem:$0x3FAC]  }
0x2d: {  	s3 =	simm.s32 $0x108;
	s8 =	sld [smem:$0x3FAD]  }
0x2e: {  	s3 =	simm.s32 @!p0 $0x1082;
	s9 =	sld [smem:$0x3FAE]  }
0x2f: {  	lr =	sadd.s32 s0, s3;
	s0 =	sld [smem:$0x3FA5]  }
0x30: {  	s3 =	sld [smem:$0x3FA8]  }
0x31: {  	[smem:$0x3FB1] =	sst s10  }
0x32: {  	s10 =	sld [smem:$0x3FAF];
	_ =	sdelay $0x3  }
0x33: {  	p0 =	seq.s32 s10, $0x1;
	s10 =	sld [smem:$0x3FB1];
	_ =	sdelay $0x3  }
0x34: {  	[smem:$0x3FB1] =	sst s10  }
0x35: {  	s10 =	sld [smem:$0x3FB0];
	_ =	sdelay $0x3  }
0x36: {  	p1 =	seq.s32 s10, $0x1;
	s10 =	sld [smem:$0x3FB1];
	_ =	sdelay $0x3  }
0x37: {  	[smem:$0x3FB1] =	sst s10  }
0x38: {  	s10 =	sld [smem:$0x3FB2]  }
0x39: {  	_ = 	snop;
	(pc) =	sbr.ind lr, $3  }
0x3a: {  	_ = 	snop  }
0x3b: {  	_ = 	snop  }
0x3c: {  	p2 =	seq.s32 s10, $0x1;
	s10 =	sld [smem:$0x3FB1]  }
0x3d: {  	_ =	shalt  }
0x3e: {  	_ =	shalt  }
0x3f: {  	_ =	shalt  }
0x40: {  	_ =	shalt  }
0x41: {  	_ =	shalt  }
0x42: {  	_ =	shalt  }
0x43: {  	_ =	shalt  }
0x44: {  	_ =	shalt  }
0x45: {  	_ =	shalt  }
0x46: {  	_ =	shalt  }
0x47: {  	_ =	shalt  }
0x48: {  	_ =	shalt  }
0x49: {  	_ =	shalt  }
0x4a: {  	_ =	shalt  }
0x4b: {  	_ =	shalt  }
0x4c: {  	_ =	shalt  }
0x4d: {  	_ =	shalt  }
0x4e: {  	_ =	shalt  }
0x4f: {  	_ =	shalt  }
0x50: {  	_ =	shalt  }
0x51: {  	_ =	shalt  }
0x52: {  	_ =	shalt  }
0x53: {  	_ =	shalt  }
0x54: {  	_ =	shalt  }
0x55: {  	_ =	shalt  }
0x56: {  	_ =	shalt  }
0x57: {  	_ =	shalt  }
0x58: {  	_ =	shalt  }
0x59: {  	_ =	shalt  }
0x5a: {  	_ =	shalt  }
0x5b: {  	_ =	shalt  }
0x5c: {  	_ =	shalt  }
0x5d: {  	_ =	shalt  }
0x5e: {  	_ =	shalt  }
0x5f: {  	_ =	shalt  }
0x60: {  	_ =	shalt  }
0x61: {  	_ =	shalt  }
0x62: {  	_ =	shalt  }
0x63: {  	_ =	shalt  }
0x64: {  	_ =	shalt  }
0x65: {  	_ =	shalt  }
0x66: {  	_ =	shalt  }
0x67: {  	_ =	shalt  }
0x68: {  	_ =	shalt  }
0x69: {  	_ =	shalt  }
0x6a: {  	_ =	shalt  }
0x6b: {  	_ =	shalt  }
0x6c: {  	_ =	shalt  }
0x6d: {  	_ =	shalt  }
0x6e: {  	_ =	shalt  }
0x6f: {  	_ =	shalt  }
0x70: {  	_ =	shalt  }
0x71: {  	_ =	shalt  }
0x72: {  	_ =	shalt  }
0x73: {  	_ =	shalt  }
0x74: {  	_ =	shalt  }
0x75: {  	_ =	shalt  }
0x76: {  	_ =	shalt  }
0x77: {  	_ =	shalt  }
0x78: {  	_ =	shalt  }
0x79: {  	_ =	shalt  }
0x7a: {  	_ =	shalt  }
0x7b: {  	_ =	shalt  }
0x7c: {  	_ =	shalt  }
0x7d: {  	_ =	shalt  }
0x7e: {  	_ =	shalt  }
0x7f: {  	_ =	shalt  }
0x80: {  	_ =	shalt  }
0x81: {  	_ =	shalt  }
0x82: {  	_ =	shalt  }
0x83: {  	_ =	shalt  }
0x84: {  	_ =	shalt  }
0x85: {  	_ =	shalt  }
0x86: {  	_ =	shalt  }
0x87: {  	_ =	shalt  }
.Lfunc_end0:
.L_simem_size_0:
called_computation_lowered:
.L_overlay_start_0:
0x88: {  	s2 =	sld [smem:$0x3FD9]  }
0x89: {  	s3 =	sld [smem:$0x3FFE];
	_ =	sdelay $0x1  }
0x8a: {  	s1 =	srdreg.scid  }
0x8b: {  	s0 =	sand.u32 $0x1, s1  }
0x8c: {  	s17 =	sshll.u32 s0, $0xA;
	s2 =	sadd.s32 s3, s2  }
0x8d: {  	s2 =	sadd.s32 s2, s17  }
0x8e: {  	[smem:$0x3FBD] =	sst s2  }
0x8f: {  	_ = 	snop  }
0x90: {  	s2 =	sld [smem:$0x3FD0];
	(tm) =	ssettm $0x1  }
0x91: {  	s18 =	sld [smem:$0x3FFB];
	_ =	sdelay $0x3  }
0x92: {  	_ =	strace s18  }
0x93: {  	s3 =	sld [smem:$0x3FFC];
	_ =	sdelay $0x3  }
0x94: {  	_ =	strace s3  }
0x95: {  	s3 =	sld [smem:$0x3FFD];
	_ =	sdelay $0x3  }
0x96: {  	_ =	strace s3  }
0x97: {  	_ =	strace $0x8FFFFFFF  }
0x98: {  	s19 =	sld [smem:$0x3FDB];
	_ =	sdelay $0x1  }
0x99: {  	s4 =	simm.s32 $_scs_section_size  }
0x9a: {  	s5 =	simm.s32 $_size__tile_overlayer_lowered;
	s6 =	simm.s32 $_tile_overlayer_lowered  }
0x9b: {  	s22 =	simm.s32 $0x1BFF;
	s21 =	sshll.u32 s6, $0x1;
	s3 =	sadd.s32 s4, s19  }
0x9c: {  	s7 =	simm.s32 $0x0;
	s20 =	sshll.u32 s5, $0x1;
	s5 =	sadd.s32 s21, s3  }
0x9d: {  	[timem:s7], [sflag:s22] =	dma.local [hbm:s5], s20  }
0x9e: {  	_ =	swait.ge [sflag:s22], s20  }
0x9f: {  	s4 =	ssub.s32 $0x0, s20;
	[sflag:s22] =	ssyncset.done $0x0  }
0xa0: {  	[sflag:s22] =	ssyncadd.s32 s4;
	_ =	sdelay $0x1  }
0xa1: {  	s23 =	simm.s32 $0x1B8B  }
0xa2: {  	_ =	swait.ge [sflag:s23], $0x1  }
0xa3: {  	[sflag:s23] =	ssyncset.done $0x0  }
0xa4: {  	s25 =	simm.s32 $0x1B8E;
	s24 =	sld [smem:$0x3FFE];
	[sflag:s23] =	ssyncadd.s32 $0xFFFFFFFF  }
0xa5: {  	s26 =	simm.s32 $execute0_lowered;
	[smem:$0x3FD2] =	sst s25  }
0xa6: {  	s5 =	sshll.u32 s26, $0x1;
	_ =	strace $0x80000046;
	[dreg:$0x1] =	wrdreg $0xFFFFFFFF  }
0xa7: {  	s28 =	simm.s32 $_size_execute0_lowered;
	s3 =	sadd.s32 s3, s5;
	[dreg:$0x0] =	wrdreg $0x0  }
0xa8: {  	s5 =	sshll.u32 s28, $0x1;
	[dreg:$0x2] =	wrdreg s3  }
0xa9: {  	[dreg:$0x3] =	wrdreg s5  }
0xaa: {  	[dreg:$0x4] =	wrdreg $0xC0  }
0xab: {  	_ =	task [dreg:s7], $0x5FFFF  }
0xac: {  	[dreg:$0x1] =	wrdreg $0xFFFFFFFF  }
0xad: {  	[dreg:$0x0] =	wrdreg $0x60  }
0xae: {  	[dreg:$0x2] =	wrdreg s24  }
0xaf: {  	[dreg:$0x3] =	wrdreg s2  }
0xb0: {  	[dreg:$0x4] =	wrdreg $0x51800  }
0xb1: {  	[dreg:$0x5] =	wrdreg $0x18A000  }
0xb2: {  	[dreg:$0x6] =	wrdreg $0x9  }
0xb3: {  	_ =	task.clear_ibuf [dreg:s7], $0x7FFFF;
	_ =	strace $0x90000046  }
0xb4: {  	s29 =	simm.s32 $0x9;
	_ =	strace $0x80000048  }
0xb5: {  	_ =	swait.ge [sflag:s29], $0x1  }
0xb6: {  	[sflag:s29] =	ssyncadd.s32 $0xFFFFFFFF  }
0xb7: {  	_ =	strace $0x90000048  }
0xb8: {  	_ =	sfence  }
0xb9: {  	s30 =	sld [smem:$0x0];
	_ =	sdelay $0x2  }
0xba: {  	s31 =	sshll.u32 s1, $0xD;
	s1 =	sshrl.u32 s1, $0x2  }
0xbb: {  	s3 =	sand.u32 $0x4000, s31;
	s1 =	sadd.s32 s1, s30  }
0xbc: {  	s0 =	sor.u32 s3, s0;
	s1 =	sshll.u32 s1, $0x11  }
0xbd: {  	s0 =	sor.u32 s1, s0  }
0xbe: {  	s0 =	sadd.s32 $0x8F2B, s0  }
0xbf: {  	[sflag:s0] =	ssyncadd.remote.s32 $0x1  }
0xc0: {  	_ =	sfence.sel $0xFFFF  }
0xc1: {  	[dreg:$0x0] =	wrdreg $0xFFFFFFFF;
	(pc) =	sbr.abs _section_cstart, $3  }
0xc2: {  	[dreg:$0x1] =	wrdreg $0xFFFFFFFF  }
0xc3: {  	_ =	task.clear_ibuf [dreg:s7], $0x2FFFF;
	_ =	strace $0x9FFFFFFF  }
0xc4: {  	(tm) =	ssettm $0x7FFFFFFF  }
0xc5: {  	_ =	shalt  }
tec
execute0_lowered:
.L_overlay_start_1:
0x0: {  	(tag) =	ssettag $0x1  }
0x1: {  	s10 =	rddreg [dreg:$0x0]  }
0x2: {  	s1 =	rddreg [dreg:$0x1]  }
0x3: {  	s3 =	rddreg [dreg:$0x2]  }
0x4: {  	s5 =	rddreg [dreg:$0x3]  }
0x5: {  	s0 =	srdreg.scid;
	s2 =	rddreg [dreg:$0x4];
	s6 =	simm.s32 $0x0  }
0x6: {  	s17 =	simm.s32 $0x2;
	s18 =	simm.s32 $0x2980;
	s19 =	simm.s32 $0x50  }
0x7: {  	s20 =	simm.s32 $0x100;
	s21 =	simm.s32 $0x80;
	s11 =	sand.u32 $0x1, s0  }
0x8: {  	s22 =	simm.s32 $0x1;
	s0 =	stileid.u32;
	s4 =	smul.u32 $0x138800, s11  }
0x9: {  	s23 =	simm.s32 $0x0;
	[smem:$0x7FF] =	sst s6;
	s7 =	smul.u32 $0x271000, s0  }
0xa: {  	_ =	strace $0x80000047;
	s9 =	sshll.u32 s0, $0xC;
	s14 =	ssub.s32 $0x2, s11  }
0xb: {  	s16 =	sshll.u32 s11, $0xB;
	s11 =	sshll.u32 s0, $0x3;
	s12 =	sadd.s32 s9, s10  }
0xc: {  	s9 =	sadd.s32 $0x553C00, s10;
	s15 =	sshrl.u32 s14, $0x1;
	s7 =	sadd.s32 s4, s7  }
0xd: {  	s14 =	ssub.s32 s14, s15;
	s31 =	sadd.s32 s16, s12;
	s16 =	simm.s32 $0x180  }
0xe: {  	s8 =	sshrl.u32 s7, $0x3;
	s7 =	sadd.s32 $0x505200, s10;
	s12 =	smax.u32 s14, $0x1  }
0xf: {  	s14 =	sadd.s32 $0x13200, s31;
	s13 =	sadd.s32 s8, s10;
	s8 =	sadd.s32 $0x553600, s10  }
0x10: {  	v0 =	vlaneseq.u32;
	s15 =	sadd.s32 $0x3200, s31;
	s10 =	sadd.s32 $0x5A1E00, s10;
	s13 =	sadd.s32 $0x23200, s13  }
.LBB2_1:
0x11: {  	[tilespmem:s16], [sflag:$0x2] =	stream.linear.gather [hbm4b:s1+s6], $0x2800, $0x38;
	[tilespmem:$0x1B110] =	vst v63  }
0x12: {  	s24 =	sadd.s32 $0x0, s11  }
0x13: {  	_ =	swait.ge [sflag:s17], $0x2800;
	p0 =	slt.s32 s24, $0x7C  }
0x14: {  	[sflag:s17] =	ssyncset.done $0x0;
	s24 =	simm.s32 @!p0 $0x7C  }
0x15: {  	[sflag:s17] =	ssyncadd.s32 $0xFFFFD800;
	s24 =	smul.u32 $0x50, s24  }
0x16: {  	[tilespmem:s18], [sflag:$0x2] =	stream.linear.gather [hbm4b:s8+s6], $0x2800, $0x38;
	[tilespmem:$0x1B110] =	vst v63  }
0x17: {  	_ =	swait.ge [sflag:s17], $0x2800  }
0x18: {  	s25 =	sadd.s32 $0x10, s24;
	[sflag:s17] =	ssyncset.done $0x0  }
0x19: {  	s31 =	sadd.s32 $0x30, s24;
	v1 =	vor.u32 s25, v0;
	[sflag:s17] =	ssyncadd.s32 $0xFFFFD800  }
0x1a: {  	s26 =	sadd.s32 $0x40, s24;
	v2 =	vor.u32 s31, v0;
	[tilespmem:$0x110] =	vst v1  }
0x1b: {  	v1 =	vor.u32 s26, v0;
	[tilespmem:$0x130] =	vst v2  }
0x1c: {  	v2 =	vor.u32 s24, v0;
	s24 =	sadd.s32 $0x20, s24;
	[tilespmem:$0x140] =	vst v1  }
0x1d: {  	v1 =	vor.u32 s24, v0;
	[tilespmem:$0x100] =	vst v2  }
0x1e: {  	s24 =	sadd.s32 $0x1, s11;
	[tilespmem:$0x120] =	vst v1  }
0x1f: {  	[spmem:s3] =	stream.indirect.scatter [tilespmem:s16], [sflag:$0x2], $0x80, s20, s19, $0xb8;
	[tilespmem:$0x1B110] =	vst v63  }
0x20: {  	s25 =	simm.s32 $0x2;
	p1 =	slt.s32 s24, $0x7C;
	_ =	swait.ge [sflag:s17], $0x2800  }
.LBB2_2:
0x21: {  	s24 =	simm.s32 @!p1 $0x7C  }
0x22: {  	[sflag:s17] =	ssyncset.done $0x0;
	s26 =	smov.u32 s25;
	s28 =	sadd.s32 $0x1, s25  }
0x23: {  	p0 =	sne.s32 s25, $0x7;
	s24 =	smul.u32 $0x50, s24;
	[sflag:s17] =	ssyncadd.s32 $0xFFFFD800  }
0x24: {  	[spmem:s5] =	stream.indirect.scatter [tilespmem:s18], [sflag:$0x2], $0x10, s20, s19, $0xb8;
	[tilespmem:$0x1B110] =	vst v63  }
0x25: {  	v1 =	vor.u32 s24, v0;
	s25 =	sadd.s32 $0x10, s24;
	s29 =	sadd.s32 $0x20, s24;
	_ =	swait.ge [sflag:s17], $0x500  }
0x26: {  	v2 =	vor.u32 s25, v0;
	v3 =	vor.u32 s29, v0;
	s25 =	sadd.s32 $0x30, s24;
	s24 =	sadd.s32 $0x40, s24;
	[sflag:s17] =	ssyncset.done $0x0  }
0x27: {  	v4 =	vor.u32 s25, v0;
	v5 =	vor.u32 s24, v0;
	[sflag:s17] =	ssyncadd.s32 $0xFFFFFB00  }
0x28: {  	[tilespmem:$0x110] =	vst v2  }
0x29: {  	[tilespmem:$0x130] =	vst v4  }
.Ltmp0:
0x2a: {  	[tilespmem:$0x140] =	vst v5;
	(pc) =	sbr.rel @p0 .LBB2_2-.Ltmp0, $4  }
0x2b: {  	[tilespmem:$0x100] =	vst v1  }
0x2c: {  	s24 =	sadd.s32 s26, s11;
	[tilespmem:$0x120] =	vst v3  }
0x2d: {  	[spmem:s3] =	stream.indirect.scatter [tilespmem:s16], [sflag:$0x2], $0x80, s20, s19, $0xb8;
	[tilespmem:$0x1B110] =	vst v63  }
0x2e: {  	s25 =	smov.u32 s28;
	p1 =	slt.s32 s24, $0x7C;
	_ =	swait.ge [sflag:s17], $0x2800  }
0x2f: {  	s24 =	simm.s32 @!p1 $0x7C;
	[sflag:s17] =	ssyncset.done $0x0  }
0x30: {  	s24 =	smul.u32 $0x50, s24;
	[sflag:s17] =	ssyncadd.s32 $0xFFFFD800  }
0x31: {  	[spmem:s5] =	stream.indirect.scatter [tilespmem:s18], [sflag:$0x2], $0x10, s20, s19, $0xb8;
	[tilespmem:$0x1B110] =	vst v63  }
0x32: {  	_ =	swait.ge [sflag:s17], $0x500  }
0x33: {  	s25 =	sadd.s32 $0x10, s24;
	[sflag:s17] =	ssyncset.done $0x0  }
0x34: {  	s29 =	sadd.s32 $0x30, s24;
	v1 =	vor.u32 s25, v0;
	[sflag:s17] =	ssyncadd.s32 $0xFFFFFB00  }
0x35: {  	s26 =	sadd.s32 $0x40, s24;
	v2 =	vor.u32 s29, v0;
	[tilespmem:$0x110] =	vst v1  }
0x36: {  	v1 =	vor.u32 s26, v0;
	[tilespmem:$0x130] =	vst v2  }
0x37: {  	v2 =	vor.u32 s24, v0;
	s24 =	sadd.s32 $0x20, s24;
	[tilespmem:$0x140] =	vst v1  }
0x38: {  	v1 =	vor.u32 s24, v0;
	[tilespmem:$0x100] =	vst v2  }
0x39: {  	[tilespmem:$0x120] =	vst v1  }
0x3a: {  	[spmem:s3] =	stream.indirect.scatter [tilespmem:s16], [sflag:$0x2], $0x80, s20, s19, $0xb8;
	[tilespmem:$0x1B110] =	vst v63  }
0x3b: {  	_ =	swait.ge [sflag:s17], $0x2800  }
0x3c: {  	[sflag:s17] =	ssyncset.done $0x0  }
0x3d: {  	[sflag:s17] =	ssyncadd.s32 $0xFFFFD800  }
0x3e: {  	[spmem:s5] =	stream.indirect.scatter [tilespmem:s18], [sflag:$0x2], $0x10, s20, s19, $0xb8;
	[tilespmem:$0x1B110] =	vst v63  }
0x3f: {  	_ =	swait.ge [sflag:s17], $0x500  }
0x40: {  	[sflag:s17] =	ssyncset.done $0x0  }
0x41: {  	[sflag:s17] =	ssyncadd.s32 $0xFFFFFB00  }
0x42: {  	s30 =	sadd.s32 $0x0, s14;
	[bflag:$0x0] =	sbarrier.arrive $0xFFFF  }
0x43: {  	[tilespmem:s6], [sflag:$0x2] =	stream.linear.gather [hbm4b:s30+s6], $0x80, $0x38;
	[tilespmem:$0x1B110] =	vst v63  }
0x44: {  	_ =	swait.ge [sflag:s17], $0x80  }
0x45: {  	[sflag:s17] =	ssyncset.done $0x0  }
0x46: {  	s31 =	sadd.s32 $0x0, s15;
	[sflag:s17] =	ssyncadd.s32 $0xFFFFFF80  }
0x47: {  	[tilespmem:s21], [sflag:$0x2] =	stream.linear.gather [hbm4b:s31+s6], $0x80, $0x38;
	[tilespmem:$0x1B110] =	vst v63  }
0x48: {  	_ =	swait.ge [sflag:s17], $0x80  }
0x49: {  	[sflag:s17] =	ssyncset.done $0x0  }
0x4a: {  	[sflag:s17] =	ssyncadd.s32 $0xFFFFFF80  }
0x4b: {  	[tilespmem:s16], [sflag:$0x1] =	stream.indirect.gather [hbm4b:s7+s19], $0x80, s6, s19, $0xb8;
	[tilespmem:$0x1B110] =	vst v63  }
0x4c: {  	_ =	swait.ge [sflag:s22], $0x2800  }
0x4d: {  	[sflag:s22] =	ssyncset.done $0x0  }
0x4e: {  	[sflag:s22] =	ssyncadd.s32 $0xFFFFD800  }
0x4f: {  	[tilespmem:s18], [sflag:$0x2] =	stream.linear.gather [hbm4b:s13+s6], $0x2800, $0x38;
	[tilespmem:$0x1B110] =	vst v63  }
0x50: {  	_ =	swait.ge [sflag:s17], $0x2800  }
0x51: {  	[sflag:s17] =	ssyncset.done $0x0  }
0x52: {  	[sflag:s17] =	ssyncadd.s32 $0xFFFFD800  }
0x53: {  	[spmem:s3] =	stream.indirect.scatter.add.f32 [tilespmem:s16], [sflag:$0x2], $0x80, s21, s19, $0xb8;
	[tilespmem:$0x1B110] =	vst v63  }
0x54: {  	_ =	swait.ge [sflag:s17], $0x2800  }
0x55: {  	[sflag:s17] =	ssyncset.done $0x0  }
0x56: {  	[sflag:s17] =	ssyncadd.s32 $0xFFFFD800  }
0x57: {  	[spmem:s5] =	stream.indirect.scatter.add.f32 [tilespmem:s18], [sflag:$0x2], $0x10, s21, s19, $0xb8;
	[tilespmem:$0x1B110] =	vst v63  }
0x58: {  	s25 =	simm.s32 $0x10;
	_ =	swait.ge [sflag:s17], $0x500  }
0x59: {  	s26 =	simm.s32 $0x20;
	s24 =	sadd.s32 $0x500, s13;
	[sflag:s17] =	ssyncset.done $0x0  }
.LBB2_4:
0x5a: {  	s28 =	sadd.s32 s25, s14  }
0x5b: {  	[sflag:s17] =	ssyncadd.s32 $0xFFFFFB00;
	s29 =	smov.u32 s26;
	s30 =	sadd.s32 $0x10, s26  }
0x5c: {  	[tilespmem:s6], [sflag:$0x2] =	stream.linear.gather [hbm4b:s28+s6], $0x80, $0x38;
	[tilespmem:$0x1B110] =	vst v63  }
0x5d: {  	p0 =	sne.s32 s26, $0x7C0;
	_ =	swait.ge [sflag:s17], $0x80  }
0x5e: {  	[sflag:s17] =	ssyncset.done $0x0  }
0x5f: {  	s26 =	sadd.s32 s25, s15;
	s25 =	smov.u32 s29;
	[sflag:s17] =	ssyncadd.s32 $0xFFFFFF80  }
0x60: {  	[tilespmem:s21], [sflag:$0x2] =	stream.linear.gather [hbm4b:s26+s6], $0x80, $0x38;
	[tilespmem:$0x1B110] =	vst v63  }
0x61: {  	_ =	swait.ge [sflag:s17], $0x80  }
0x62: {  	[sflag:s17] =	ssyncset.done $0x0  }
0x63: {  	[sflag:s17] =	ssyncadd.s32 $0xFFFFFF80  }
0x64: {  	[tilespmem:s16], [sflag:$0x1] =	stream.indirect.gather [hbm4b:s7+s19], $0x80, s6, s19, $0xb8;
	[tilespmem:$0x1B110] =	vst v63  }
0x65: {  	_ =	swait.ge [sflag:s22], $0x2800  }
0x66: {  	[sflag:s22] =	ssyncset.done $0x0  }
0x67: {  	[sflag:s22] =	ssyncadd.s32 $0xFFFFD800  }
0x68: {  	[tilespmem:s18], [sflag:$0x2] =	stream.linear.gather [hbm4b:s24+s6], $0x2800, $0x38;
	[tilespmem:$0x1B110] =	vst v63  }
0x69: {  	_ =	swait.ge [sflag:s17], $0x2800  }
0x6a: {  	[sflag:s17] =	ssyncset.done $0x0  }
0x6b: {  	[sflag:s17] =	ssyncadd.s32 $0xFFFFD800  }
0x6c: {  	[spmem:s3] =	stream.indirect.scatter.add.f32 [tilespmem:s16], [sflag:$0x2], $0x80, s21, s19, $0xb8;
	[tilespmem:$0x1B110] =	vst v63  }
0x6d: {  	_ =	swait.ge [sflag:s17], $0x2800  }
.Ltmp1:
0x6e: {  	[sflag:s17] =	ssyncset.done $0x0;
	(pc) =	sbr.rel @p0 .LBB2_4-.Ltmp1, $4  }
0x6f: {  	[sflag:s17] =	ssyncadd.s32 $0xFFFFD800  }
0x70: {  	[spmem:s5] =	stream.indirect.scatter.add.f32 [tilespmem:s18], [sflag:$0x2], $0x10, s21, s19, $0xb8;
	[tilespmem:$0x1B110] =	vst v63  }
0x71: {  	_ =	swait.ge [sflag:s17], $0x500  }
0x72: {  	s26 =	smov.u32 s30;
	s24 =	sadd.s32 $0x500, s24;
	[sflag:s17] =	ssyncset.done $0x0  }
0x73: {  	s26 =	sadd.s32 s25, s14;
	[sflag:s17] =	ssyncadd.s32 $0xFFFFFB00  }
0x74: {  	[tilespmem:s6], [sflag:$0x2] =	stream.linear.gather [hbm4b:s26+s6], $0x80, $0x38;
	[tilespmem:$0x1B110] =	vst v63  }
0x75: {  	_ =	swait.ge [sflag:s17], $0x80  }
0x76: {  	[sflag:s17] =	ssyncset.done $0x0  }
0x77: {  	s28 =	sadd.s32 s25, s15;
	[sflag:s17] =	ssyncadd.s32 $0xFFFFFF80  }
0x78: {  	[tilespmem:s21], [sflag:$0x2] =	stream.linear.gather [hbm4b:s28+s6], $0x80, $0x38;
	[tilespmem:$0x1B110] =	vst v63  }
0x79: {  	_ =	swait.ge [sflag:s17], $0x80  }
0x7a: {  	[sflag:s17] =	ssyncset.done $0x0  }
0x7b: {  	[sflag:s17] =	ssyncadd.s32 $0xFFFFFF80  }
0x7c: {  	[tilespmem:s16], [sflag:$0x1] =	stream.indirect.gather [hbm4b:s7+s19], $0x80, s6, s19, $0xb8;
	[tilespmem:$0x1B110] =	vst v63  }
0x7d: {  	_ =	swait.ge [sflag:s22], $0x2800  }
0x7e: {  	[sflag:s22] =	ssyncset.done $0x0  }
0x7f: {  	[sflag:s22] =	ssyncadd.s32 $0xFFFFD800  }
0x80: {  	[tilespmem:s18], [sflag:$0x2] =	stream.linear.gather [hbm4b:s24+s6], $0x2800, $0x38;
	[tilespmem:$0x1B110] =	vst v63  }
0x81: {  	_ =	swait.ge [sflag:s17], $0x2800  }
0x82: {  	[sflag:s17] =	ssyncset.done $0x0  }
0x83: {  	[sflag:s17] =	ssyncadd.s32 $0xFFFFD800  }
0x84: {  	[spmem:s3] =	stream.indirect.scatter.add.f32 [tilespmem:s16], [sflag:$0x2], $0x80, s21, s19, $0xb8;
	[tilespmem:$0x1B110] =	vst v63  }
0x85: {  	s24 =	sadd.s32 $0x0, s11;
	_ =	swait.ge [sflag:s17], $0x2800  }
0x86: {  	p0 =	slt.s32 s24, $0x7C;
	[sflag:s17] =	ssyncset.done $0x0  }
0x87: {  	s24 =	simm.s32 @!p0 $0x7C;
	[sflag:s17] =	ssyncadd.s32 $0xFFFFD800  }
0x88: {  	[spmem:s5] =	stream.indirect.scatter.add.f32 [tilespmem:s18], [sflag:$0x2], $0x10, s21, s19, $0xb8;
	[tilespmem:$0x1B110] =	vst v63  }
0x89: {  	s29 =	smul.u32 $0x50, s24;
	_ =	swait.ge [sflag:s17], $0x500  }
0x8a: {  	[sflag:s17] =	ssyncset.done $0x0  }
0x8b: {  	s30 =	sadd.s32 $0x10, s29;
	[sflag:s17] =	ssyncadd.s32 $0xFFFFFB00  }
0x8c: {  	s31 =	sadd.s32 $0x30, s29;
	v1 =	vor.u32 s30, v0;
	[bflag:$0x0] =	sbarrier.arrive $0xFFFF  }
0x8d: {  	s28 =	sadd.s32 $0x40, s29;
	v2 =	vor.u32 s31, v0;
	[tilespmem:$0x110] =	vst v1  }
0x8e: {  	v1 =	vor.u32 s28, v0;
	[tilespmem:$0x130] =	vst v2  }
0x8f: {  	s25 =	sadd.s32 $0x20, s29;
	v2 =	vor.u32 s29, v0;
	[tilespmem:$0x140] =	vst v1  }
0x90: {  	v1 =	vor.u32 s25, v0;
	[tilespmem:$0x100] =	vst v2  }
0x91: {  	s24 =	smul.u32 $0x2800, s24;
	[tilespmem:$0x120] =	vst v1  }
0x92: {  	[tilespmem:s16], [sflag:$0x1] =	stream.indirect.gather [spmem:s3], $0x80, s20, s19, $0xb8;
	[tilespmem:$0x1B110] =	vst v63  }
0x93: {  	s24 =	sadd.s32 s4, s24;
	_ =	swait.ge [sflag:s22], $0x2800  }
0x94: {  	s25 =	sshrl.u32 s24, $0x3;
	[sflag:s22] =	ssyncset.done $0x0  }
0x95: {  	s24 =	sadd.s32 s9, s25;
	[sflag:s22] =	ssyncadd.s32 $0xFFFFD800  }
0x96: {  	[hbm4b:s24+s6] =	stream.linear.scatter [tilespmem:s16], [sflag:$0x2], $0x2800, $0x38;
	[tilespmem:$0x1B110] =	vst v63  }
0x97: {  	_ =	swait.ge [sflag:s17], $0x2800  }
0x98: {  	[sflag:s17] =	ssyncset.done $0x0  }
0x99: {  	s24 =	sadd.s32 $0x1, s11;
	[sflag:s17] =	ssyncadd.s32 $0xFFFFD800  }
0x9a: {  	[tilespmem:s18], [sflag:$0x1] =	stream.indirect.gather [spmem:s5], $0x10, s20, s19, $0xb8;
	[tilespmem:$0x1B110] =	vst v63  }
0x9b: {  	s26 =	simm.s32 $0x2;
	p1 =	slt.s32 s24, $0x7C;
	_ =	swait.ge [sflag:s22], $0x500  }
.LBB2_6:
0x9c: {  	s24 =	simm.s32 @!p1 $0x7C  }
0x9d: {  	[sflag:s22] =	ssyncset.done $0x0;
	s28 =	smov.u32 s26;
	s29 =	sadd.s32 $0x1, s26  }
0x9e: {  	s25 =	sadd.s32 s10, s25;
	s30 =	smul.u32 $0x50, s24;
	[sflag:s22] =	ssyncadd.s32 $0xFFFFFB00  }
0x9f: {  	[hbm4b:s25+s6] =	stream.linear.scatter [tilespmem:s18], [sflag:$0x2], $0x2800, $0x38;
	[tilespmem:$0x1B110] =	vst v63  }
0xa0: {  	v1 =	vor.u32 s30, v0;
	s25 =	sadd.s32 $0x10, s30;
	s31 =	sadd.s32 $0x20, s30;
	_ =	swait.ge [sflag:s17], $0x2800  }
0xa1: {  	v2 =	vor.u32 s25, v0;
	v3 =	vor.u32 s31, v0;
	s25 =	sadd.s32 $0x30, s30;
	s30 =	sadd.s32 $0x40, s30;
	[sflag:s17] =	ssyncset.done $0x0  }
0xa2: {  	p0 =	sne.s32 s26, $0x7;
	s24 =	smul.u32 $0x2800, s24;
	v4 =	vor.u32 s25, v0;
	v5 =	vor.u32 s30, v0;
	[sflag:s17] =	ssyncadd.s32 $0xFFFFD800  }
0xa3: {  	[tilespmem:$0x110] =	vst v2  }
0xa4: {  	s24 =	sadd.s32 s4, s24;
	[tilespmem:$0x130] =	vst v4  }
0xa5: {  	s25 =	sshrl.u32 s24, $0x3;
	[tilespmem:$0x140] =	vst v5  }
0xa6: {  	[tilespmem:$0x100] =	vst v1  }
0xa7: {  	[tilespmem:$0x120] =	vst v3  }
0xa8: {  	[tilespmem:s16], [sflag:$0x1] =	stream.indirect.gather [spmem:s3], $0x80, s20, s19, $0xb8;
	[tilespmem:$0x1B110] =	vst v63  }
0xa9: {  	_ =	swait.ge [sflag:s22], $0x2800  }
0xaa: {  	[sflag:s22] =	ssyncset.done $0x0  }
0xab: {  	s24 =	sadd.s32 s9, s25;
	[sflag:s22] =	ssyncadd.s32 $0xFFFFD800  }
0xac: {  	[hbm4b:s24+s6] =	stream.linear.scatter [tilespmem:s16], [sflag:$0x2], $0x2800, $0x38;
	[tilespmem:$0x1B110] =	vst v63  }
.Ltmp2:
0xad: {  	_ =	swait.ge [sflag:s17], $0x2800;
	(pc) =	sbr.rel @p0 .LBB2_6-.Ltmp2, $4  }
0xae: {  	[sflag:s17] =	ssyncset.done $0x0  }
0xaf: {  	s24 =	sadd.s32 s28, s11;
	[sflag:s17] =	ssyncadd.s32 $0xFFFFD800  }
0xb0: {  	[tilespmem:s18], [sflag:$0x1] =	stream.indirect.gather [spmem:s5], $0x10, s20, s19, $0xb8;
	[tilespmem:$0x1B110] =	vst v63  }
0xb1: {  	s26 =	smov.u32 s29;
	p1 =	slt.s32 s24, $0x7C;
	_ =	swait.ge [sflag:s22], $0x500  }
0xb2: {  	s24 =	simm.s32 @!p1 $0x7C;
	[sflag:s22] =	ssyncset.done $0x0  }
0xb3: {  	s25 =	sadd.s32 s10, s25;
	s26 =	smul.u32 $0x50, s24;
	[sflag:s22] =	ssyncadd.s32 $0xFFFFFB00  }
0xb4: {  	[hbm4b:s25+s6] =	stream.linear.scatter [tilespmem:s18], [sflag:$0x2], $0x2800, $0x38;
	[tilespmem:$0x1B110] =	vst v63  }
0xb5: {  	_ =	swait.ge [sflag:s17], $0x2800  }
0xb6: {  	s28 =	sadd.s32 $0x10, s26;
	[sflag:s17] =	ssyncset.done $0x0  }
0xb7: {  	s29 =	sadd.s32 $0x30, s26;
	v1 =	vor.u32 s28, v0;
	[sflag:s17] =	ssyncadd.s32 $0xFFFFD800  }
0xb8: {  	s28 =	sadd.s32 $0x40, s26;
	v2 =	vor.u32 s29, v0;
	[tilespmem:$0x110] =	vst v1  }
0xb9: {  	v1 =	vor.u32 s28, v0;
	[tilespmem:$0x130] =	vst v2  }
0xba: {  	s30 =	sadd.s32 $0x20, s26;
	v2 =	vor.u32 s26, v0;
	[tilespmem:$0x140] =	vst v1  }
0xbb: {  	v1 =	vor.u32 s30, v0;
	[tilespmem:$0x100] =	vst v2  }
0xbc: {  	s24 =	smul.u32 $0x2800, s24;
	[tilespmem:$0x120] =	vst v1  }
0xbd: {  	[tilespmem:s16], [sflag:$0x1] =	stream.indirect.gather [spmem:s3], $0x80, s20, s19, $0xb8;
	[tilespmem:$0x1B110] =	vst v63  }
0xbe: {  	s24 =	sadd.s32 s4, s24;
	_ =	swait.ge [sflag:s22], $0x2800  }
0xbf: {  	s24 =	sshrl.u32 s24, $0x3;
	[sflag:s22] =	ssyncset.done $0x0  }
0xc0: {  	s31 =	sadd.s32 s9, s24;
	[sflag:s22] =	ssyncadd.s32 $0xFFFFD800  }
0xc1: {  	[hbm4b:s31+s6] =	stream.linear.scatter [tilespmem:s16], [sflag:$0x2], $0x2800, $0x38;
	[tilespmem:$0x1B110] =	vst v63  }
0xc2: {  	_ =	swait.ge [sflag:s17], $0x2800  }
0xc3: {  	[sflag:s17] =	ssyncset.done $0x0  }
0xc4: {  	[sflag:s17] =	ssyncadd.s32 $0xFFFFD800  }
0xc5: {  	[tilespmem:s18], [sflag:$0x1] =	stream.indirect.gather [spmem:s5], $0x10, s20, s19, $0xb8;
	[tilespmem:$0x1B110] =	vst v63  }
0xc6: {  	s23 =	sadd.s32 $0x1, s23;
	_ =	swait.ge [sflag:s22], $0x500  }
0xc7: {  	p0 =	sne.s32 s23, s12;
	[sflag:s22] =	ssyncset.done $0x0  }
.Ltmp3:
0xc8: {  	s24 =	sadd.s32 s10, s24;
	[sflag:s22] =	ssyncadd.s32 $0xFFFFFB00;
	(pc) =	sbr.rel @p0 .LBB2_1-.Ltmp3, $4  }
0xc9: {  	[hbm4b:s24+s6] =	stream.linear.scatter [tilespmem:s18], [sflag:$0x2], $0x2800, $0x38;
	[tilespmem:$0x1B110] =	vst v63  }
0xca: {  	_ =	swait.ge [sflag:s17], $0x2800  }
0xcb: {  	[sflag:s17] =	ssyncset.done $0x0  }
0xcc: {  	[sflag:s17] =	ssyncadd.s32 $0xFFFFD800  }
0xcd: {  	_ =	sfence.sel $0x180000  }
0xce: {  	[bflag:$0x0] =	sbarrier.arrive $0xFFFF  }
0xcf: {  	p0 =	sne.s32 s0, $0x0;
	_ =	strace $0x90000047  }
0xd0: {  	s0 =	sadd.s32 @!p0 $0x100000, s2;
	[bflag:$0x2] =	sbarrier.arrive $0xFFFF  }
0xd1: {  	[sflag:s0] =	ssyncadd.tile.s32 @!p0 $0x1;
	_ =	shalt  }
.Lfunc_end2:
_tile_overlayer_lowered:
.L_overlay_start_2:
0xd2: {  	(tag) =	ssettag $0x2  }
0xd3: {  	s0 =	rddreg [dreg:$0x0];
	s2 =	stileid.u32  }
0xd4: {  	s1 =	rddreg [dreg:$0x1];
	p0 =	sne.s32 s2, $0x0  }
0xd5: {  	s3 =	rddreg [dreg:$0x2];
	[bflag:$0x3] =	sbarrier.arrive $0xFFFF;
	s2 =	simm.s32 @!p0 $0x1C02  }
0xd6: {  	[timem:s3], [sflag:s2] =	dma.local @!p0 [hbm:s0], s1  }
0xd7: {  	s0 =	simm.s32 @!p0 $0x2  }
0xd8: {  	_ =	swait.ge @!p0 [sflag:s0], s1  }
0xd9: {  	s1 =	ssub.s32 @!p0 $0x0, s1;
	[sflag:s0] =	ssyncset.done @!p0 $0x0  }
0xda: {  	[sflag:s0] =	ssyncadd.s32 @!p0 s1  }
0xdb: {  	[bflag:$0x3] =	sbarrier.arrive $0xFFFF  }
0xdc: {  	_ =	shalt  }

</sc_bundles>
